<compile_context>
chip_gen: v7x
topology: tpu7x:2x2x1
jax: 0.10.2.dev20260603
libtpu: 0.0.44.dev20260713+nightly
codegen_flags: <defaults>
</compile_context>

<pallas_src>
import functools

import jax
import jax.numpy as jnp
from jax import lax
from jax.experimental import pallas as pl
from jax.experimental.pallas import tpu as pltpu
from jax.experimental.pallas import tpu_sc as plsc

B, P, C = 32, 8732, 81
PP = 8960
TP = 4480
NPT = PP // TP
GRP = PP // 16
P4 = P * 4



def _tc_body(x_ref, lab_ref, bg_ref, gs_ref):
    pt = pl.program_id(1)
    x = x_ref[0]
    labv = lab_ref[0]

    e = jnp.exp(x)
    ones = jnp.ones((C, 1), jnp.float32)
    s = lax.dot_general(e, ones, (((1,), (0,)), ((), ())),
                        preferred_element_type=jnp.float32)

    row = lax.broadcasted_iota(jnp.int32, (TP, 1), 0)
    xz = jnp.where(pt * TP + row < P, x, 0.0)
    crow = lax.broadcasted_iota(jnp.int32, (C, 1), 0)
    ht = jnp.where(crow == labv, 1.0, 0.0)
    prod = lax.dot_general(ht, xz, (((1,), (0,)), ((), ())),
                           preferred_element_type=jnp.float32)
    dg = (lax.broadcasted_iota(jnp.int32, (C, C), 0)
          == lax.broadcasted_iota(jnp.int32, (C, C), 1))
    sum_cl = jnp.sum(jnp.where(dg, prod, 0.0))
    vrow = jnp.ones((1, TP), jnp.float32)
    sum_c0 = lax.dot_general(vrow, xz, (((1,), (0,)), ((), ())),
                             preferred_element_type=jnp.float32)[0, 0]
    gs_blk = sum_cl - sum_c0

    c0 = x[:, 0:1]
    sc2 = jnp.concatenate([s, c0], axis=1).T
    bg_t = jnp.maximum(jnp.log(sc2[0:1, :]) - sc2[1:2, :], 0.0)
    bg_ref[0, 0, pl.ds(pt * TP, TP)] = bg_t[0]

    lane = lax.broadcasted_iota(jnp.int32, (1, 128), 1)
    gs_ref[0, 0, 0, :] = jnp.where(lane == 0, gs_blk, 0.0)[0]


def _tc_stage(conf, lab3):
    return pl.pallas_call(
        _tc_body,
        grid=(B, NPT),
        in_specs=[
            pl.BlockSpec((1, TP, C), lambda b, p: (b, p, 0)),
            pl.BlockSpec((1, 1, TP), lambda b, p: (b, 0, p)),
        ],
        out_specs=[
            pl.BlockSpec((1, 1, PP), lambda b, p: (b, 0, 0)),
            pl.BlockSpec((1, 1, 1, 128), lambda b, p: (b, p, 0, 0)),
        ],
        out_shape=[
            jax.ShapeDtypeStruct((B, 1, PP), jnp.float32),
            jax.ShapeDtypeStruct((B, NPT, 1, 128), jnp.float32),
        ],
        compiler_params=pltpu.CompilerParams(
            dimension_semantics=("parallel", "parallel")),
    )(conf, lab3)



_IOTA16 = lambda: lax.iota(jnp.int32, 16)


def _hist_zero(hcnt, hsum, nb):
    zi = jnp.zeros((16,), jnp.int32)
    zf = jnp.zeros((16,), jnp.float32)

    def zbody(i, _):
        hcnt[pl.ds(i * 16, 16)] = zi
        hsum[pl.ds(i * 16, 16)] = zf
        return 0

    lax.fori_loop(0, nb // 16, zbody, 0)


def _hist_fill(bg_v, lab_v, hcnt, hsum, shift, dmask, pshift, pref):
    ones = jnp.ones((16,), jnp.int32)

    def body(i, _):
        off = i * 16
        v = bg_v[pl.ds(off, 16)]
        l = lab_v[pl.ds(off, 16)]
        u = plsc.bitcast(v, jnp.int32)
        msk = (l == 0) & ((u >> pshift) == pref)
        d = (u >> shift) & dmask
        plsc.addupdate_scatter(hcnt, [d], ones, mask=msk)
        plsc.addupdate_scatter(hsum, [d], v, mask=msk)
        return 0

    lax.fori_loop(0, GRP, body, 0)


def _hist_scan(hcnt, hsum, nb, K, G0, S0):
    iota16 = _IOTA16()
    nchunk = nb // 16

    def sbody(jj, st):
        G, S, b, cb, found = st
        j = nchunk - 1 - jj
        cv = hcnt[pl.ds(j * 16, 16)]
        sv = hsum[pl.ds(j * 16, 16)]
        rcv = lax.rev(cv, (0,))
        rsv = lax.rev(sv, (0,))
        ccum = plsc.cumsum(rcv)
        scum = plsc.cumsum(rsv)
        cross = (G + ccum) >= K
        r = jnp.min(jnp.where(cross, iota16, 16))
        hit = r < 16
        oh = iota16 == r
        cR = jnp.sum(jnp.where(oh, ccum, 0))
        cntR = jnp.sum(jnp.where(oh, rcv, 0))
        sR = jnp.sum(jnp.where(oh, scum, 0.0))
        sumR = jnp.sum(jnp.where(oh, rsv, 0.0))
        tot = jnp.sum(cv)
        stot = jnp.sum(sv)
        nf = found | hit
        G2 = jnp.where(found, G, jnp.where(hit, G + cR - cntR, G + tot))
        S2 = jnp.where(found, S, jnp.where(hit, S + sR - sumR, S + stot))
        b2 = jnp.where(found, b, jnp.where(hit, j * 16 + 15 - r, b))
        cb2 = jnp.where(found, cb, jnp.where(hit, cntR, cb))
        return G2, S2, b2, cb2, nf

    G, S, b, cb, _ = lax.fori_loop(
        0, nchunk, sbody, (G0, S0, jnp.int32(0), jnp.int32(0), False))
    return b, G, S, cb


def _sc_body(bg_hbm, lab_hbm, pred_hbm, gt_hbm, out_hbm,
             bg_v, lab_v, pred_v, gt_v, hcnt, hsum, outv):
    cax = lax.axis_index("c")
    sax = lax.axis_index("s")
    wid = sax * 2 + cax

    pltpu.sync_copy(bg_hbm.at[wid], bg_v)
    pltpu.sync_copy(lab_hbm.at[wid], lab_v)
    pltpu.sync_copy(pred_hbm.at[wid], pred_v)
    pltpu.sync_copy(gt_hbm.at[wid], gt_v)

    zi = jnp.zeros((16,), jnp.int32)
    zf = jnp.zeros((16,), jnp.float32)

    def p1(i, acc):
        npos, pbg, nneg, nsum = acc
        off = i * 16
        v = bg_v[pl.ds(off, 16)]
        l = lab_v[pl.ds(off, 16)]
        pos = l > 0
        neg = l == 0
        return (npos + jnp.where(pos, 1, 0),
                pbg + jnp.where(pos, v, 0.0),
                nneg + jnp.where(neg, 1, 0),
                nsum + jnp.where(neg, v, 0.0))

    npos_v, pbg_v, nneg_v, nsum_v = lax.fori_loop(0, GRP, p1, (zi, zf, zi, zf))
    num_pos = jnp.sum(npos_v)
    n_neg = jnp.sum(nneg_v)
    pos_bg = jnp.sum(pbg_v)
    neg_all = jnp.sum(nsum_v)
    K = num_pos * 3

    def all_branch():
        return neg_all

    def radix_branch():
        G = jnp.int32(0)
        S = jnp.float32(0.0)
        _hist_zero(hcnt, hsum, 2048)
        _hist_fill(bg_v, lab_v, hcnt, hsum, 20, 2047, 31, jnp.int32(0))
        b0, G, S, _ = _hist_scan(hcnt, hsum, 2048, K, G, S)
        _hist_zero(hcnt, hsum, 1024)
        _hist_fill(bg_v, lab_v, hcnt, hsum, 10, 1023, 20, b0)
        b1, G, S, _ = _hist_scan(hcnt, hsum, 1024, K, G, S)
        _hist_zero(hcnt, hsum, 1024)
        pref2 = (b0 << 10) | b1
        _hist_fill(bg_v, lab_v, hcnt, hsum, 0, 1023, 10, pref2)
        b2, G, S, T = _hist_scan(hcnt, hsum, 1024, K, G, S)
        vbits = (pref2 << 10) | b2
        V = lax.bitcast_convert_type(vbits, jnp.float32)
        taken = jnp.clip(K - G, 0, T)
        return S + jnp.where(taken > 0, taken.astype(jnp.float32) * V, 0.0)

    neg_sel = lax.cond(K >= n_neg, all_branch, radix_branch)
    cls_row = pos_bg + neg_sel

    q4 = _IOTA16() >> 2

    def pbb(i, acc):
        off = i * 16
        pv = pred_v[pl.ds(off, 16)]
        gv = gt_v[pl.ds(off, 16)]
        lg = plsc.load_gather(lab_v, [i * 4 + q4])
        d = pv - gv
        ad = jnp.abs(d)
        sl1 = jnp.where(ad < 1.0, 0.5 * d * d, ad - 0.5)
        return acc + jnp.where(lg > 0, sl1, 0.0)

    bb_v = lax.fori_loop(0, P4 // 16, pbb, zf)
    bb_row = jnp.sum(bb_v)

    iota16 = _IOTA16()
    outv[...] = jnp.where(iota16 == 0, cls_row,
                          jnp.where(iota16 == 1, num_pos.astype(jnp.float32),
                                    jnp.where(iota16 == 2, bb_row, 0.0)))
    pltpu.sync_copy(outv, out_hbm.at[wid])


def _sc_stage(bg_pad, lab_pad, predf, gtf):
    mesh = plsc.VectorSubcoreMesh(core_axis_name="c", subcore_axis_name="s",
                                  num_cores=2, num_subcores=16)
    f = functools.partial(
        pl.kernel,
        out_type=jax.ShapeDtypeStruct((B, 16), jnp.float32),
        mesh=mesh,
        compiler_params=pltpu.CompilerParams(needs_layout_passes=False),
        scratch_types=[
            pltpu.VMEM((PP,), jnp.float32),
            pltpu.VMEM((PP,), jnp.int32),
            pltpu.VMEM((P4,), jnp.float32),
            pltpu.VMEM((P4,), jnp.float32),
            pltpu.VMEM((2048,), jnp.int32),
            pltpu.VMEM((2048,), jnp.float32),
            pltpu.VMEM((16,), jnp.float32),
        ],
    )(_sc_body)
    return f(bg_pad, lab_pad, predf, gtf)



def kernel(confidence, predicted_locations, labels, gt_locations):
    lab3 = labels.reshape(B, 1, P)

    bg3, gs4 = _tc_stage(confidence, lab3)

    bg_pad = bg3.reshape(B, PP)
    lab_pad = jnp.pad(labels, ((0, 0), (0, PP - P)), constant_values=-1)
    predf = predicted_locations.reshape(B, P4)
    gtf = gt_locations.reshape(B, P4)

    rows = _sc_stage(bg_pad, lab_pad, predf, gtf)

    gs_total = jnp.sum(gs4[:, :, 0, 0])
    cls_total = jnp.sum(rows[:, 0]) - gs_total
    npos_total = jnp.sum(rows[:, 1])
    bbox_loss = jnp.sum(rows[:, 2]) / npos_total
    cls_loss = cls_total / npos_total
    return (bbox_loss, cls_loss)

# --- scband reference (transcript-rebuilt; emitter-appended) ---
"""Pipeline reference for scband-multi-box-loss-41652592837353 (READ-ONLY COPY).

The authoritative reference and input builder live on the scoring server;
editing this copy changes nothing except your own understanding.
"""

import jax, jax.numpy as jnp
import numpy as np

NEG_POS_RATIO = 3


def setup_inputs(seed: int = 0) -> dict:
    key = jax.random.key(seed)
    k1, k2, k3, k4 = jax.random.split(key, 4)
    B, P, C = 32, 8732, 81
    confidence = jax.random.normal(k1, (B, P, C), dtype=jnp.float32)
    predicted_locations = jax.random.normal(k2, (B, P, 4), dtype=jnp.float32)
    labels = jax.random.randint(k3, (B, P), 0, C, dtype=jnp.int32)
    gt_locations = jax.random.normal(k4, (B, P, 4), dtype=jnp.float32)
    return {"confidence": confidence, "predicted_locations": predicted_locations,
            "labels": labels, "gt_locations": gt_locations}


def _hard_negative_mask(loss, labels, neg_pos_ratio):
    # loss: (B, P) background negative-log-prob; labels: (B, P)
    pos_mask = labels > 0
    num_pos = jnp.sum(pos_mask.astype(jnp.int32), axis=1, keepdims=True)
    num_neg = num_pos * neg_pos_ratio
    loss = jnp.where(pos_mask, -jnp.inf, loss)
    # descending sort: argsort of -loss ascending == indexes of descending loss
    indexes = jnp.argsort(-loss, axis=1)
    orders = jnp.argsort(indexes, axis=1)
    neg_mask = orders < num_neg
    return pos_mask | neg_mask


def reference(confidence, predicted_locations, labels, gt_locations):
    num_classes = confidence.shape[2]
    logp = jax.nn.log_softmax(confidence, axis=2)
    # hard negative mining (torch does this under no_grad)
    loss = -jax.lax.stop_gradient(logp)[:, :, 0]
    mask = _hard_negative_mask(loss, labels, NEG_POS_RATIO)
    # cross entropy summed over selected (pos + hard-neg) priors
    ce = -jnp.take_along_axis(logp, labels[..., None].astype(jnp.int32), axis=2)[..., 0]
    classification_loss = jnp.sum(jnp.where(mask, ce, 0.0))
    # smooth L1 bbox loss over positive priors
    pos_mask = labels > 0
    diff = predicted_locations - gt_locations
    ad = jnp.abs(diff)
    sl1 = jnp.where(ad < 1.0, 0.5 * diff * diff, ad - 0.5)
    bbox_sum = jnp.sum(jnp.where(pos_mask[..., None], sl1, 0.0))
    num_pos = jnp.sum(pos_mask.astype(jnp.float32))
    bbox_loss = bbox_sum / num_pos
    return (bbox_loss, classification_loss / num_pos)

if __name__ == "__main__":
    import jax
    _d = setup_inputs()
    print(jax.jit(kernel)(*tuple(_d.values())))

</pallas_src>

<mosaic_0001>
#map = affine_map<(d0, d1) -> (0, 0)>
module attributes {stable_mosaic.version = 14 : i64} {
  func.func @_sc_body(%arg0: i32, %arg1: i32, %arg2: memref<32x8960xf32, #tpu.memory_space<hbm>>, %arg3: memref<32x8960xi32, #tpu.memory_space<hbm>>, %arg4: memref<32x34928xf32, #tpu.memory_space<hbm>>, %arg5: memref<32x34928xf32, #tpu.memory_space<hbm>>, %arg6: memref<32x16xf32, #tpu.memory_space<hbm>>, %arg7: memref<8960xf32, #tpu.memory_space<vmem>>, %arg8: memref<8960xi32, #tpu.memory_space<vmem>>, %arg9: memref<34928xf32, #tpu.memory_space<vmem>>, %arg10: memref<34928xf32, #tpu.memory_space<vmem>>, %arg11: memref<2048xi32, #tpu.memory_space<vmem>>, %arg12: memref<2048xf32, #tpu.memory_space<vmem>>, %arg13: memref<16xf32, #tpu.memory_space<vmem>>) attributes {dimension_semantics = [#tpu.dimension_semantics<core_parallel>, #tpu.dimension_semantics<subcore_parallel>], iteration_bounds = array<i64: 2, 16>, scalar_prefetch = 0 : i64, scratch_operands = 7 : i64, tpu.core_type = #tpu.core_type<sc_vector_subcore>, window_params = [{transform_indices = #map}, {transform_indices = #map}, {transform_indices = #map}, {transform_indices = #map}, {transform_indices = #map}]} {
    %mul3A = arith.constant 2 : i32
    %mul3A_0 = arith.muli %arg1, %mul3A : i32
    %add3A = arith.addi %mul3A_0, %arg0 : i32
    "tpu.region"() ({
      %run_scoped3A = tpu.sem_alloc : memref<!tpu.dma_semaphore, #tpu.memory_space<semaphore_mem>>
      %dma_start3A = arith.constant 0 : i32
      %dma_start3A_58 = tpu.memref_slice %arg2[%add3A, %dma_start3A] : memref<32x8960xf32, #tpu.memory_space<hbm>> -> memref<1x8960xf32, #tpu.memory_space<hbm>>
      %dma_start3A_59 = tpu.memref_squeeze %dma_start3A_58 : memref<1x8960xf32, #tpu.memory_space<hbm>> -> memref<8960xf32, #tpu.memory_space<hbm>>
      %dma_start3A_60 = arith.constant 0 : i32
      %dma_start3A_61 = tpu.memref_slice %arg2[%add3A, %dma_start3A_60] : memref<32x8960xf32, #tpu.memory_space<hbm>> -> memref<1x8960xf32, #tpu.memory_space<hbm>>
      %dma_start3A_62 = tpu.memref_squeeze %dma_start3A_61 : memref<1x8960xf32, #tpu.memory_space<hbm>> -> memref<8960xf32, #tpu.memory_space<hbm>>
      tpu.enqueue_dma source(%dma_start3A_62 : memref<8960xf32, #tpu.memory_space<hbm>>) target(%arg7 : memref<8960xf32, #tpu.memory_space<vmem>>) target_semaphore(%run_scoped3A : memref<!tpu.dma_semaphore, #tpu.memory_space<semaphore_mem>>)
      %dma_wait3A = arith.constant 0 : i32
      %dma_wait3A_63 = tpu.memref_slice %arg2[%add3A, %dma_wait3A] : memref<32x8960xf32, #tpu.memory_space<hbm>> -> memref<1x8960xf32, #tpu.memory_space<hbm>>
      %dma_wait3A_64 = tpu.memref_squeeze %dma_wait3A_63 : memref<1x8960xf32, #tpu.memory_space<hbm>> -> memref<8960xf32, #tpu.memory_space<hbm>>
      %dma_wait3A_65 = arith.constant 0 : i32
      %dma_wait3A_66 = tpu.memref_slice %arg2[%add3A, %dma_wait3A_65] : memref<32x8960xf32, #tpu.memory_space<hbm>> -> memref<1x8960xf32, #tpu.memory_space<hbm>>
      %dma_wait3A_67 = tpu.memref_squeeze %dma_wait3A_66 : memref<1x8960xf32, #tpu.memory_space<hbm>> -> memref<8960xf32, #tpu.memory_space<hbm>>
      tpu.wait_dma2 semaphore(%run_scoped3A : memref<!tpu.dma_semaphore, #tpu.memory_space<semaphore_mem>>) src(%dma_wait3A_67 : memref<8960xf32, #tpu.memory_space<hbm>>) dst(%arg7 : memref<8960xf32, #tpu.memory_space<vmem>>)
      tpu.yield
    }) : () -> ()
    "tpu.region"() ({
      %run_scoped3A = tpu.sem_alloc : memref<!tpu.dma_semaphore, #tpu.memory_space<semaphore_mem>>
      %dma_start3A = arith.constant 0 : i32
      %dma_start3A_58 = tpu.memref_slice %arg3[%add3A, %dma_start3A] : memref<32x8960xi32, #tpu.memory_space<hbm>> -> memref<1x8960xi32, #tpu.memory_space<hbm>>
      %dma_start3A_59 = tpu.memref_squeeze %dma_start3A_58 : memref<1x8960xi32, #tpu.memory_space<hbm>> -> memref<8960xi32, #tpu.memory_space<hbm>>
      %dma_start3A_60 = arith.constant 0 : i32
      %dma_start3A_61 = tpu.memref_slice %arg3[%add3A, %dma_start3A_60] : memref<32x8960xi32, #tpu.memory_space<hbm>> -> memref<1x8960xi32, #tpu.memory_space<hbm>>
      %dma_start3A_62 = tpu.memref_squeeze %dma_start3A_61 : memref<1x8960xi32, #tpu.memory_space<hbm>> -> memref<8960xi32, #tpu.memory_space<hbm>>
      tpu.enqueue_dma source(%dma_start3A_62 : memref<8960xi32, #tpu.memory_space<hbm>>) target(%arg8 : memref<8960xi32, #tpu.memory_space<vmem>>) target_semaphore(%run_scoped3A : memref<!tpu.dma_semaphore, #tpu.memory_space<semaphore_mem>>)
      %dma_wait3A = arith.constant 0 : i32
      %dma_wait3A_63 = tpu.memref_slice %arg3[%add3A, %dma_wait3A] : memref<32x8960xi32, #tpu.memory_space<hbm>> -> memref<1x8960xi32, #tpu.memory_space<hbm>>
      %dma_wait3A_64 = tpu.memref_squeeze %dma_wait3A_63 : memref<1x8960xi32, #tpu.memory_space<hbm>> -> memref<8960xi32, #tpu.memory_space<hbm>>
      %dma_wait3A_65 = arith.constant 0 : i32
      %dma_wait3A_66 = tpu.memref_slice %arg3[%add3A, %dma_wait3A_65] : memref<32x8960xi32, #tpu.memory_space<hbm>> -> memref<1x8960xi32, #tpu.memory_space<hbm>>
      %dma_wait3A_67 = tpu.memref_squeeze %dma_wait3A_66 : memref<1x8960xi32, #tpu.memory_space<hbm>> -> memref<8960xi32, #tpu.memory_space<hbm>>
      tpu.wait_dma2 semaphore(%run_scoped3A : memref<!tpu.dma_semaphore, #tpu.memory_space<semaphore_mem>>) src(%dma_wait3A_67 : memref<8960xi32, #tpu.memory_space<hbm>>) dst(%arg8 : memref<8960xi32, #tpu.memory_space<vmem>>)
      tpu.yield
    }) : () -> ()
    "tpu.region"() ({
      %run_scoped3A = tpu.sem_alloc : memref<!tpu.dma_semaphore, #tpu.memory_space<semaphore_mem>>
      %dma_start3A = arith.constant 0 : i32
      %dma_start3A_58 = tpu.memref_slice %arg4[%add3A, %dma_start3A] : memref<32x34928xf32, #tpu.memory_space<hbm>> -> memref<1x34928xf32, #tpu.memory_space<hbm>>
      %dma_start3A_59 = tpu.memref_squeeze %dma_start3A_58 : memref<1x34928xf32, #tpu.memory_space<hbm>> -> memref<34928xf32, #tpu.memory_space<hbm>>
      %dma_start3A_60 = arith.constant 0 : i32
      %dma_start3A_61 = tpu.memref_slice %arg4[%add3A, %dma_start3A_60] : memref<32x34928xf32, #tpu.memory_space<hbm>> -> memref<1x34928xf32, #tpu.memory_space<hbm>>
      %dma_start3A_62 = tpu.memref_squeeze %dma_start3A_61 : memref<1x34928xf32, #tpu.memory_space<hbm>> -> memref<34928xf32, #tpu.memory_space<hbm>>
      tpu.enqueue_dma source(%dma_start3A_62 : memref<34928xf32, #tpu.memory_space<hbm>>) target(%arg9 : memref<34928xf32, #tpu.memory_space<vmem>>) target_semaphore(%run_scoped3A : memref<!tpu.dma_semaphore, #tpu.memory_space<semaphore_mem>>)
      %dma_wait3A = arith.constant 0 : i32
      %dma_wait3A_63 = tpu.memref_slice %arg4[%add3A, %dma_wait3A] : memref<32x34928xf32, #tpu.memory_space<hbm>> -> memref<1x34928xf32, #tpu.memory_space<hbm>>
      %dma_wait3A_64 = tpu.memref_squeeze %dma_wait3A_63 : memref<1x34928xf32, #tpu.memory_space<hbm>> -> memref<34928xf32, #tpu.memory_space<hbm>>
      %dma_wait3A_65 = arith.constant 0 : i32
      %dma_wait3A_66 = tpu.memref_slice %arg4[%add3A, %dma_wait3A_65] : memref<32x34928xf32, #tpu.memory_space<hbm>> -> memref<1x34928xf32, #tpu.memory_space<hbm>>
      %dma_wait3A_67 = tpu.memref_squeeze %dma_wait3A_66 : memref<1x34928xf32, #tpu.memory_space<hbm>> -> memref<34928xf32, #tpu.memory_space<hbm>>
      tpu.wait_dma2 semaphore(%run_scoped3A : memref<!tpu.dma_semaphore, #tpu.memory_space<semaphore_mem>>) src(%dma_wait3A_67 : memref<34928xf32, #tpu.memory_space<hbm>>) dst(%arg9 : memref<34928xf32, #tpu.memory_space<vmem>>)
      tpu.yield
    }) : () -> ()
    "tpu.region"() ({
      %run_scoped3A = tpu.sem_alloc : memref<!tpu.dma_semaphore, #tpu.memory_space<semaphore_mem>>
      %dma_start3A = arith.constant 0 : i32
      %dma_start3A_58 = tpu.memref_slice %arg5[%add3A, %dma_start3A] : memref<32x34928xf32, #tpu.memory_space<hbm>> -> memref<1x34928xf32, #tpu.memory_space<hbm>>
      %dma_start3A_59 = tpu.memref_squeeze %dma_start3A_58 : memref<1x34928xf32, #tpu.memory_space<hbm>> -> memref<34928xf32, #tpu.memory_space<hbm>>
      %dma_start3A_60 = arith.constant 0 : i32
      %dma_start3A_61 = tpu.memref_slice %arg5[%add3A, %dma_start3A_60] : memref<32x34928xf32, #tpu.memory_space<hbm>> -> memref<1x34928xf32, #tpu.memory_space<hbm>>
      %dma_start3A_62 = tpu.memref_squeeze %dma_start3A_61 : memref<1x34928xf32, #tpu.memory_space<hbm>> -> memref<34928xf32, #tpu.memory_space<hbm>>
      tpu.enqueue_dma source(%dma_start3A_62 : memref<34928xf32, #tpu.memory_space<hbm>>) target(%arg10 : memref<34928xf32, #tpu.memory_space<vmem>>) target_semaphore(%run_scoped3A : memref<!tpu.dma_semaphore, #tpu.memory_space<semaphore_mem>>)
      %dma_wait3A = arith.constant 0 : i32
      %dma_wait3A_63 = tpu.memref_slice %arg5[%add3A, %dma_wait3A] : memref<32x34928xf32, #tpu.memory_space<hbm>> -> memref<1x34928xf32, #tpu.memory_space<hbm>>
      %dma_wait3A_64 = tpu.memref_squeeze %dma_wait3A_63 : memref<1x34928xf32, #tpu.memory_space<hbm>> -> memref<34928xf32, #tpu.memory_space<hbm>>
      %dma_wait3A_65 = arith.constant 0 : i32
      %dma_wait3A_66 = tpu.memref_slice %arg5[%add3A, %dma_wait3A_65] : memref<32x34928xf32, #tpu.memory_space<hbm>> -> memref<1x34928xf32, #tpu.memory_space<hbm>>
      %dma_wait3A_67 = tpu.memref_squeeze %dma_wait3A_66 : memref<1x34928xf32, #tpu.memory_space<hbm>> -> memref<34928xf32, #tpu.memory_space<hbm>>
      tpu.wait_dma2 semaphore(%run_scoped3A : memref<!tpu.dma_semaphore, #tpu.memory_space<semaphore_mem>>) src(%dma_wait3A_67 : memref<34928xf32, #tpu.memory_space<hbm>>) dst(%arg10 : memref<34928xf32, #tpu.memory_space<vmem>>)
      tpu.yield
    }) : () -> ()
    %broadcast_in_dim3A = arith.constant 0 : i32
    %broadcast_in_dim3A_1 = vector.broadcast %broadcast_in_dim3A : i32 to vector<16xi32>
    %broadcast_in_dim3A_2 = arith.constant 0.000000e+00 : f32
    %broadcast_in_dim3A_3 = vector.broadcast %broadcast_in_dim3A_2 : f32 to vector<16xf32>
    %scan3A = arith.constant 0 : i32
    %scan3A_4 = arith.constant 560 : i32
    %scan3A_5 = arith.addi %scan3A, %scan3A_4 : i32
    %scan3A_6 = arith.constant 1 : i32
    %scan3A_7:4 = scf.for %scan3A_58 = %scan3A to %scan3A_5 step %scan3A_6 iter_args(%scan3A_59 = %broadcast_in_dim3A_1, %scan3A_60 = %broadcast_in_dim3A_3, %scan3A_61 = %broadcast_in_dim3A_1, %scan3A_62 = %broadcast_in_dim3A_3) -> (vector<16xi32>, vector<16xf32>, vector<16xi32>, vector<16xf32>)  : i32 {
      %mul3A_63 = arith.constant 16 : i32
      %mul3A_64 = arith.muli %scan3A_58, %mul3A_63 : i32
      %get3A = arith.index_cast %mul3A_64 : i32 to index
      %get3A_65 = tpu.vector_load %arg7[%get3A] {strides = array<i32>} : memref<8960xf32, #tpu.memory_space<vmem>>, vector<16xf32>,
      %get3A_66 = arith.index_cast %mul3A_64 : i32 to index
      %get3A_67 = tpu.vector_load %arg8[%get3A_66] {strides = array<i32>} : memref<8960xi32, #tpu.memory_space<vmem>>, vector<16xi32>,
      %gt3A = arith.constant 0 : i32
      %gt3A_68 = vector.broadcast %gt3A : i32 to vector<16xi32>
      %gt3A_69 = arith.cmpi sgt, %get3A_67, %gt3A_68 : vector<16xi32>
      %eq3A_70 = arith.constant 0 : i32
      %eq3A_71 = vector.broadcast %eq3A_70 : i32 to vector<16xi32>
      %eq3A_72 = arith.cmpi eq, %get3A_67, %eq3A_71 : vector<16xi32>
      %jit3A_73 = arith.constant 1 : i32
      %jit3A_74 = arith.constant 0 : i32
      %broadcast_in_dim3A_75 = vector.broadcast %jit3A_73 : i32 to vector<16xi32>
      %broadcast_in_dim3A_76 = vector.broadcast %jit3A_74 : i32 to vector<16xi32>
      %select_n3A_77 = arith.select %gt3A_69, %broadcast_in_dim3A_75, %broadcast_in_dim3A_76 : vector<16xi1>, vector<16xi32>
      %add3A_78 = arith.addi %scan3A_59, %select_n3A_77 : vector<16xi32>
      %jit3A_79 = arith.constant 0.000000e+00 : f32
      %broadcast_in_dim3A_80 = vector.broadcast %jit3A_79 : f32 to vector<16xf32>
      %select_n3A_81 = arith.select %gt3A_69, %get3A_65, %broadcast_in_dim3A_80 : vector<16xi1>, vector<16xf32>
      %add3A_82 = arith.addf %scan3A_60, %select_n3A_81 : vector<16xf32>
      %jit3A_83 = arith.constant 1 : i32
      %jit3A_84 = arith.constant 0 : i32
      %broadcast_in_dim3A_85 = vector.broadcast %jit3A_83 : i32 to vector<16xi32>
      %broadcast_in_dim3A_86 = vector.broadcast %jit3A_84 : i32 to vector<16xi32>
      %select_n3A_87 = arith.select %eq3A_72, %broadcast_in_dim3A_85, %broadcast_in_dim3A_86 : vector<16xi1>, vector<16xi32>
      %add3A_88 = arith.addi %scan3A_61, %select_n3A_87 : vector<16xi32>
      %jit3A_89 = arith.constant 0.000000e+00 : f32
      %broadcast_in_dim3A_90 = vector.broadcast %jit3A_89 : f32 to vector<16xf32>
      %select_n3A_91 = arith.select %eq3A_72, %get3A_65, %broadcast_in_dim3A_90 : vector<16xi1>, vector<16xf32>
      %add3A_92 = arith.addf %scan3A_62, %select_n3A_91 : vector<16xf32>
      scf.yield %add3A_78, %add3A_82, %add3A_88, %add3A_92 : vector<16xi32>, vector<16xf32>, vector<16xi32>, vector<16xf32>
    }
    %scan3A_8 = arith.constant 560 : i32
    %reduce_sum3A = arith.constant true
    %reduce_sum3A_9 = vector.broadcast %reduce_sum3A : i1 to vector<16xi1>
    %reduce_sum3A_10 = tpu.scan <sum>, %scan3A_7#0 masked %reduce_sum3A_9 : vector<16xi32>, vector<16xi1> -> vector<16xi32>
    %reduce_sum3A_11 = vector.extract %reduce_sum3A_10[15] : i32 from vector<16xi32>
    %reduce_sum3A_12 = arith.constant true
    %reduce_sum3A_13 = vector.broadcast %reduce_sum3A_12 : i1 to vector<16xi1>
    %reduce_sum3A_14 = tpu.scan <sum>, %scan3A_7#2 masked %reduce_sum3A_13 : vector<16xi32>, vector<16xi1> -> vector<16xi32>
    %reduce_sum3A_15 = vector.extract %reduce_sum3A_14[15] : i32 from vector<16xi32>
    %reduce_sum3A_16 = arith.constant true
    %reduce_sum3A_17 = vector.broadcast %reduce_sum3A_16 : i1 to vector<16xi1>
    %reduce_sum3A_18 = tpu.scan <sum>, %scan3A_7#1 masked %reduce_sum3A_17 : vector<16xf32>, vector<16xi1> -> vector<16xf32>
    %reduce_sum3A_19 = vector.extract %reduce_sum3A_18[15] : f32 from vector<16xf32>
    %reduce_sum3A_20 = arith.constant true
    %reduce_sum3A_21 = vector.broadcast %reduce_sum3A_20 : i1 to vector<16xi1>
    %reduce_sum3A_22 = tpu.scan <sum>, %scan3A_7#3 masked %reduce_sum3A_21 : vector<16xf32>, vector<16xi1> -> vector<16xf32>
    %reduce_sum3A_23 = vector.extract %reduce_sum3A_22[15] : f32 from vector<16xf32>
    %mul3A_24 = arith.constant 3 : i32
    %mul3A_25 = arith.muli %reduce_sum3A_11, %mul3A_24 : i32
    %ge3A = arith.cmpi sge, %mul3A_25, %reduce_sum3A_15 : i32
    %convert_element_type3A = arith.extui %ge3A : i1 to i32
    %cond3A = arith.constant 0 : i32
    %cond3A_26 = arith.cmpi ne, %convert_element_type3A, %cond3A : i32
    %cond3A_27 = scf.if %cond3A_26 -> (f32) {
      scf.yield %reduce_sum3A_23 : f32
    } else {
      %broadcast_in_dim3A_58 = arith.constant 0 : i32
      %broadcast_in_dim3A_59 = vector.broadcast %broadcast_in_dim3A_58 : i32 to vector<16xi32>
      %broadcast_in_dim3A_60 = arith.constant 0.000000e+00 : f32
      %broadcast_in_dim3A_61 = vector.broadcast %broadcast_in_dim3A_60 : f32 to vector<16xf32>
      %scan3A_62 = arith.constant 0 : i32
      %scan3A_63 = arith.constant 0 : i32
      %scan3A_64 = arith.constant 128 : i32
      %scan3A_65 = arith.addi %scan3A_63, %scan3A_64 : i32
      %scan3A_66 = arith.constant 1 : i32
      %scan3A_67 = scf.for %scan3A_162 = %scan3A_63 to %scan3A_65 step %scan3A_66 iter_args(%scan3A_163 = %scan3A_62) -> (i32)  : i32 {
        %mul3A_164 = arith.constant 16 : i32
        %mul3A_165 = arith.muli %scan3A_162, %mul3A_164 : i32
        %swap3A_166 = arith.index_cast %mul3A_165 : i32 to index
        %swap3A_167 = tpu.vector_load %arg11[%swap3A_166] {strides = array<i32>} : memref<2048xi32, #tpu.memory_space<vmem>>, vector<16xi32>,
        tpu.vector_store %arg11[%swap3A_166], %broadcast_in_dim3A_59 {strides = array<i32>} : memref<2048xi32, #tpu.memory_space<vmem>>, vector<16xi32>,
        %mul3A_168 = arith.constant 16 : i32
        %mul3A_169 = arith.muli %scan3A_162, %mul3A_168 : i32
        %swap3A_170 = arith.index_cast %mul3A_169 : i32 to index
        %swap3A_171 = tpu.vector_load %arg12[%swap3A_170] {strides = array<i32>} : memref<2048xf32, #tpu.memory_space<vmem>>, vector<16xf32>,
        tpu.vector_store %arg12[%swap3A_170], %broadcast_in_dim3A_61 {strides = array<i32>} : memref<2048xf32, #tpu.memory_space<vmem>>, vector<16xf32>,
        %scan3A_172 = arith.constant 0 : i32
        scf.yield %scan3A_172 : i32
      }
      %scan3A_68 = arith.constant 128 : i32
      %broadcast_in_dim3A_69 = arith.constant 1 : i32
      %broadcast_in_dim3A_70 = vector.broadcast %broadcast_in_dim3A_69 : i32 to vector<16xi32>
      %scan3A_71 = arith.constant 0 : i32
      %scan3A_72 = arith.constant 0 : i32
      %scan3A_73 = arith.constant 0 : i32
      %scan3A_74 = arith.constant 560 : i32
      %scan3A_75 = arith.addi %scan3A_73, %scan3A_74 : i32
      %scan3A_76 = arith.constant 1 : i32
      %scan3A_77 = scf.for %scan3A_162 = %scan3A_73 to %scan3A_75 step %scan3A_76 iter_args(%scan3A_163 = %scan3A_72) -> (i32)  : i32 {
        %mul3A_164 = arith.constant 16 : i32
        %mul3A_165 = arith.muli %scan3A_162, %mul3A_164 : i32
        %get3A = arith.index_cast %mul3A_165 : i32 to index
        %get3A_166 = tpu.vector_load %arg7[%get3A] {strides = array<i32>} : memref<8960xf32, #tpu.memory_space<vmem>>, vector<16xf32>,
        %get3A_167 = arith.index_cast %mul3A_165 : i32 to index
        %get3A_168 = tpu.vector_load %arg8[%get3A_167] {strides = array<i32>} : memref<8960xi32, #tpu.memory_space<vmem>>, vector<16xi32>,
        %bitcast3A = vector.bitcast %get3A_166 : vector<16xf32> to vector<16xi32>
        %eq3A_169 = arith.constant 0 : i32
        %eq3A_170 = vector.broadcast %eq3A_169 : i32 to vector<16xi32>
        %eq3A_171 = arith.cmpi eq, %get3A_168, %eq3A_170 : vector<16xi32>
        %shift_right_arithmetic3A_172 = arith.constant 31 : i32
        %shift_right_arithmetic3A_173 = vector.broadcast %shift_right_arithmetic3A_172 : i32 to vector<16xi32>
        %shift_right_arithmetic3A_174 = arith.shrsi %bitcast3A, %shift_right_arithmetic3A_173 : vector<16xi32>
        %eq3A_175 = vector.broadcast %scan3A_71 : i32 to vector<16xi32>
        %eq3A_176 = arith.cmpi eq, %shift_right_arithmetic3A_174, %eq3A_175 : vector<16xi32>
        %and3A = arith.andi %eq3A_171, %eq3A_176 : vector<16xi1>
        %shift_right_arithmetic3A_177 = arith.constant 20 : i32
        %shift_right_arithmetic3A_178 = vector.broadcast %shift_right_arithmetic3A_177 : i32 to vector<16xi32>
        %shift_right_arithmetic3A_179 = arith.shrsi %bitcast3A, %shift_right_arithmetic3A_178 : vector<16xi32>
        %and3A_180 = arith.constant 2047 : i32
        %and3A_181 = vector.broadcast %and3A_180 : i32 to vector<16xi32>
        %and3A_182 = arith.andi %shift_right_arithmetic3A_179, %and3A_181 : vector<16xi32>
        tpu.vector_store_idx %arg11[%and3A_182], %broadcast_in_dim3A_70 masked %and3A {add = true} : memref<2048xi32, #tpu.memory_space<vmem>>[vector<16xi32>], vector<16xi32>, vector<16xi1>
        tpu.vector_store_idx %arg12[%and3A_182], %get3A_166 masked %and3A {add = true} : memref<2048xf32, #tpu.memory_space<vmem>>[vector<16xi32>], vector<16xf32>, vector<16xi1>
        %scan3A_183 = arith.constant 0 : i32
        scf.yield %scan3A_183 : i32
      }
      %scan3A_78 = arith.constant 560 : i32
      %iota3A_79 = tpu.iota {dimensions = array<i32: 0>} : vector<16xi32>
      %scan3A_80 = arith.constant 0 : i32
      %scan3A_81 = arith.constant 0.000000e+00 : f32
      %scan3A_82 = arith.constant 0 : i32
      %scan3A_83 = arith.constant 0 : i32
      %scan3A_84 = arith.constant false
      %scan3A_85 = arith.constant 0 : i32
      %scan3A_86 = arith.constant 128 : i32
      %scan3A_87 = arith.addi %scan3A_85, %scan3A_86 : i32
      %scan3A_88 = arith.constant 1 : i32
      %scan3A_89:5 = scf.for %scan3A_162 = %scan3A_85 to %scan3A_87 step %scan3A_88 iter_args(%scan3A_163 = %scan3A_80, %scan3A_164 = %scan3A_81, %scan3A_165 = %scan3A_82, %scan3A_166 = %scan3A_83, %scan3A_167 = %scan3A_84) -> (i32, f32, i32, i32, i1)  : i32 {
        %sub3A_168 = arith.constant 127 : i32
        %sub3A_169 = arith.subi %sub3A_168, %scan3A_162 : i32
        %mul3A_170 = arith.constant 16 : i32
        %mul3A_171 = arith.muli %sub3A_169, %mul3A_170 : i32
        %get3A = arith.index_cast %mul3A_171 : i32 to index
        %get3A_172 = tpu.vector_load %arg11[%get3A] {strides = array<i32>} : memref<2048xi32, #tpu.memory_space<vmem>>, vector<16xi32>,
        %mul3A_173 = arith.constant 16 : i32
        %mul3A_174 = arith.muli %sub3A_169, %mul3A_173 : i32
        %get3A_175 = arith.index_cast %mul3A_174 : i32 to index
        %get3A_176 = tpu.vector_load %arg12[%get3A_175] {strides = array<i32>} : memref<2048xf32, #tpu.memory_space<vmem>>, vector<16xf32>,
        %rev3A = arith.constant 15 : i32
        %rev3A_177 = vector.broadcast %rev3A : i32 to vector<16xi32>
        %rev3A_178 = tpu.iota {dimensions = array<i32: 0>} : vector<16xi32>
        %rev3A_179 = arith.subi %rev3A_177, %rev3A_178 : vector<16xi32>
        %rev3A_180 = tpu.dynamic_gather %get3A_172[%rev3A_179] in [0] : vector<16xi32>, vector<16xi32> -> vector<16xi32>
        %rev3A_181 = arith.constant 15 : i32
        %rev3A_182 = vector.broadcast %rev3A_181 : i32 to vector<16xi32>
        %rev3A_183 = tpu.iota {dimensions = array<i32: 0>} : vector<16xi32>
        %rev3A_184 = arith.subi %rev3A_182, %rev3A_183 : vector<16xi32>
        %rev3A_185 = tpu.dynamic_gather %get3A_176[%rev3A_184] in [0] : vector<16xf32>, vector<16xi32> -> vector<16xf32>
        %broadcast_in_dim3A_186 = arith.constant true
        %broadcast_in_dim3A_187 = vector.broadcast %broadcast_in_dim3A_186 : i1 to vector<16xi1>
        %masked_cumsum3A = tpu.scan <sum>, %rev3A_180 masked %broadcast_in_dim3A_187 : vector<16xi32>, vector<16xi1> -> vector<16xi32>
        %broadcast_in_dim3A_188 = arith.constant true
        %broadcast_in_dim3A_189 = vector.broadcast %broadcast_in_dim3A_188 : i1 to vector<16xi1>
        %masked_cumsum3A_190 = tpu.scan <sum>, %rev3A_185 masked %broadcast_in_dim3A_189 : vector<16xf32>, vector<16xi1> -> vector<16xf32>
        %add3A_191 = vector.broadcast %scan3A_163 : i32 to vector<16xi32>
        %add3A_192 = arith.addi %add3A_191, %masked_cumsum3A : vector<16xi32>
        %ge3A_193 = vector.broadcast %mul3A_25 : i32 to vector<16xi32>
        %ge3A_194 = arith.cmpi sge, %add3A_192, %ge3A_193 : vector<16xi32>
        %jit3A_195 = arith.constant 16 : i32
        %broadcast_in_dim3A_196 = vector.broadcast %jit3A_195 : i32 to vector<16xi32>
        %select_n3A_197 = arith.select %ge3A_194, %iota3A_79, %broadcast_in_dim3A_196 : vector<16xi1>, vector<16xi32>
        %reduce_min3A = arith.constant true
        %reduce_min3A_198 = vector.broadcast %reduce_min3A : i1 to vector<16xi1>
        %reduce_min3A_199 = arith.constant -2147483648 : i32
        %reduce_min3A_200 = vector.broadcast %reduce_min3A_199 : i32 to vector<16xi32>
        %reduce_min3A_201 = arith.xori %select_n3A_197, %reduce_min3A_200 : vector<16xi32>
        %reduce_min3A_202 = tpu.scan <min>, %reduce_min3A_201 masked %reduce_min3A_198 : vector<16xi32>, vector<16xi1> -> vector<16xi32>
        %reduce_min3A_203 = arith.xori %reduce_min3A_202, %reduce_min3A_200 : vector<16xi32>
        %reduce_min3A_204 = vector.extract %reduce_min3A_203[15] : i32 from vector<16xi32>
        %lt3A = arith.constant 16 : i32
        %lt3A_205 = arith.cmpi slt, %reduce_min3A_204, %lt3A : i32
        %eq3A_206 = vector.broadcast %reduce_min3A_204 : i32 to vector<16xi32>
        %eq3A_207 = arith.cmpi eq, %iota3A_79, %eq3A_206 : vector<16xi32>
        %jit3A_208 = arith.constant 0 : i32
        %broadcast_in_dim3A_209 = vector.broadcast %jit3A_208 : i32 to vector<16xi32>
        %select_n3A_210 = arith.select %eq3A_207, %masked_cumsum3A, %broadcast_in_dim3A_209 : vector<16xi1>, vector<16xi32>
        %reduce_sum3A_211 = arith.constant true
        %reduce_sum3A_212 = vector.broadcast %reduce_sum3A_211 : i1 to vector<16xi1>
        %reduce_sum3A_213 = tpu.scan <sum>, %select_n3A_210 masked %reduce_sum3A_212 : vector<16xi32>, vector<16xi1> -> vector<16xi32>
        %reduce_sum3A_214 = vector.extract %reduce_sum3A_213[15] : i32 from vector<16xi32>
        %jit3A_215 = arith.constant 0 : i32
        %broadcast_in_dim3A_216 = vector.broadcast %jit3A_215 : i32 to vector<16xi32>
        %select_n3A_217 = arith.select %eq3A_207, %rev3A_180, %broadcast_in_dim3A_216 : vector<16xi1>, vector<16xi32>
        %reduce_sum3A_218 = arith.constant true
        %reduce_sum3A_219 = vector.broadcast %reduce_sum3A_218 : i1 to vector<16xi1>
        %reduce_sum3A_220 = tpu.scan <sum>, %select_n3A_217 masked %reduce_sum3A_219 : vector<16xi32>, vector<16xi1> -> vector<16xi32>
        %reduce_sum3A_221 = vector.extract %reduce_sum3A_220[15] : i32 from vector<16xi32>
        %jit3A_222 = arith.constant 0.000000e+00 : f32
        %broadcast_in_dim3A_223 = vector.broadcast %jit3A_222 : f32 to vector<16xf32>
        %select_n3A_224 = arith.select %eq3A_207, %masked_cumsum3A_190, %broadcast_in_dim3A_223 : vector<16xi1>, vector<16xf32>
        %reduce_sum3A_225 = arith.constant true
        %reduce_sum3A_226 = vector.broadcast %reduce_sum3A_225 : i1 to vector<16xi1>
        %reduce_sum3A_227 = tpu.scan <sum>, %select_n3A_224 masked %reduce_sum3A_226 : vector<16xf32>, vector<16xi1> -> vector<16xf32>
        %reduce_sum3A_228 = vector.extract %reduce_sum3A_227[15] : f32 from vector<16xf32>
        %jit3A_229 = arith.constant 0.000000e+00 : f32
        %broadcast_in_dim3A_230 = vector.broadcast %jit3A_229 : f32 to vector<16xf32>
        %select_n3A_231 = arith.select %eq3A_207, %rev3A_185, %broadcast_in_dim3A_230 : vector<16xi1>, vector<16xf32>
        %reduce_sum3A_232 = arith.constant true
        %reduce_sum3A_233 = vector.broadcast %reduce_sum3A_232 : i1 to vector<16xi1>
        %reduce_sum3A_234 = tpu.scan <sum>, %select_n3A_231 masked %reduce_sum3A_233 : vector<16xf32>, vector<16xi1> -> vector<16xf32>
        %reduce_sum3A_235 = vector.extract %reduce_sum3A_234[15] : f32 from vector<16xf32>
        %reduce_sum3A_236 = arith.constant true
        %reduce_sum3A_237 = vector.broadcast %reduce_sum3A_236 : i1 to vector<16xi1>
        %reduce_sum3A_238 = tpu.scan <sum>, %get3A_172 masked %reduce_sum3A_237 : vector<16xi32>, vector<16xi1> -> vector<16xi32>
        %reduce_sum3A_239 = vector.extract %reduce_sum3A_238[15] : i32 from vector<16xi32>
        %reduce_sum3A_240 = arith.constant true
        %reduce_sum3A_241 = vector.broadcast %reduce_sum3A_240 : i1 to vector<16xi1>
        %reduce_sum3A_242 = tpu.scan <sum>, %get3A_176 masked %reduce_sum3A_241 : vector<16xf32>, vector<16xi1> -> vector<16xf32>
        %reduce_sum3A_243 = vector.extract %reduce_sum3A_242[15] : f32 from vector<16xf32>
        %or3A_244 = arith.ori %scan3A_167, %lt3A_205 : i1
        %add3A_245 = arith.addi %scan3A_163, %reduce_sum3A_214 : i32
        %sub3A_246 = arith.subi %add3A_245, %reduce_sum3A_221 : i32
        %add3A_247 = arith.addi %scan3A_163, %reduce_sum3A_239 : i32
        %select_n3A_248 = arith.select %lt3A_205, %sub3A_246, %add3A_247 : i32
        %select_n3A_249 = arith.select %scan3A_167, %scan3A_163, %select_n3A_248 : i32
        %add3A_250 = arith.addf %scan3A_164, %reduce_sum3A_228 : f32
        %sub3A_251 = arith.subf %add3A_250, %reduce_sum3A_235 : f32
        %add3A_252 = arith.addf %scan3A_164, %reduce_sum3A_243 : f32
        %select_n3A_253 = arith.select %lt3A_205, %sub3A_251, %add3A_252 : f32
        %select_n3A_254 = arith.select %scan3A_167, %scan3A_164, %select_n3A_253 : f32
        %mul3A_255 = arith.constant 16 : i32
        %mul3A_256 = arith.muli %sub3A_169, %mul3A_255 : i32
        %add3A_257 = arith.constant 15 : i32
        %add3A_258 = arith.addi %mul3A_256, %add3A_257 : i32
        %sub3A_259 = arith.subi %add3A_258, %reduce_min3A_204 : i32
        %select_n3A_260 = arith.select %lt3A_205, %sub3A_259, %scan3A_165 : i32
        %select_n3A_261 = arith.select %scan3A_167, %scan3A_165, %select_n3A_260 : i32
        %select_n3A_262 = arith.select %lt3A_205, %reduce_sum3A_221, %scan3A_166 : i32
        %select_n3A_263 = arith.select %scan3A_167, %scan3A_166, %select_n3A_262 : i32
        scf.yield %select_n3A_249, %select_n3A_254, %select_n3A_261, %select_n3A_263, %or3A_244 : i32, f32, i32, i32, i1
      }
      %scan3A_90 = arith.constant 128 : i32
      %broadcast_in_dim3A_91 = arith.constant 0 : i32
      %broadcast_in_dim3A_92 = vector.broadcast %broadcast_in_dim3A_91 : i32 to vector<16xi32>
      %broadcast_in_dim3A_93 = arith.constant 0.000000e+00 : f32
      %broadcast_in_dim3A_94 = vector.broadcast %broadcast_in_dim3A_93 : f32 to vector<16xf32>
      %scan3A_95 = arith.constant 0 : i32
      %scan3A_96 = arith.constant 0 : i32
      %scan3A_97 = arith.constant 64 : i32
      %scan3A_98 = arith.addi %scan3A_96, %scan3A_97 : i32
      %scan3A_99 = arith.constant 1 : i32
      %scan3A_100 = scf.for %scan3A_162 = %scan3A_96 to %scan3A_98 step %scan3A_99 iter_args(%scan3A_163 = %scan3A_95) -> (i32)  : i32 {
        %mul3A_164 = arith.constant 16 : i32
        %mul3A_165 = arith.muli %scan3A_162, %mul3A_164 : i32
        %swap3A_166 = arith.index_cast %mul3A_165 : i32 to index
        %swap3A_167 = tpu.vector_load %arg11[%swap3A_166] {strides = array<i32>} : memref<2048xi32, #tpu.memory_space<vmem>>, vector<16xi32>,
        tpu.vector_store %arg11[%swap3A_166], %broadcast_in_dim3A_92 {strides = array<i32>} : memref<2048xi32, #tpu.memory_space<vmem>>, vector<16xi32>,
        %mul3A_168 = arith.constant 16 : i32
        %mul3A_169 = arith.muli %scan3A_162, %mul3A_168 : i32
        %swap3A_170 = arith.index_cast %mul3A_169 : i32 to index
        %swap3A_171 = tpu.vector_load %arg12[%swap3A_170] {strides = array<i32>} : memref<2048xf32, #tpu.memory_space<vmem>>, vector<16xf32>,
        tpu.vector_store %arg12[%swap3A_170], %broadcast_in_dim3A_94 {strides = array<i32>} : memref<2048xf32, #tpu.memory_space<vmem>>, vector<16xf32>,
        %scan3A_172 = arith.constant 0 : i32
        scf.yield %scan3A_172 : i32
      }
      %scan3A_101 = arith.constant 64 : i32
      %broadcast_in_dim3A_102 = arith.constant 1 : i32
      %broadcast_in_dim3A_103 = vector.broadcast %broadcast_in_dim3A_102 : i32 to vector<16xi32>
      %scan3A_104 = arith.constant 0 : i32
      %scan3A_105 = arith.constant 0 : i32
      %scan3A_106 = arith.constant 560 : i32
      %scan3A_107 = arith.addi %scan3A_105, %scan3A_106 : i32
      %scan3A_108 = arith.constant 1 : i32
      %scan3A_109 = scf.for %scan3A_162 = %scan3A_105 to %scan3A_107 step %scan3A_108 iter_args(%scan3A_163 = %scan3A_104) -> (i32)  : i32 {
        %mul3A_164 = arith.constant 16 : i32
        %mul3A_165 = arith.muli %scan3A_162, %mul3A_164 : i32
        %get3A = arith.index_cast %mul3A_165 : i32 to index
        %get3A_166 = tpu.vector_load %arg7[%get3A] {strides = array<i32>} : memref<8960xf32, #tpu.memory_space<vmem>>, vector<16xf32>,
        %get3A_167 = arith.index_cast %mul3A_165 : i32 to index
        %get3A_168 = tpu.vector_load %arg8[%get3A_167] {strides = array<i32>} : memref<8960xi32, #tpu.memory_space<vmem>>, vector<16xi32>,
        %bitcast3A = vector.bitcast %get3A_166 : vector<16xf32> to vector<16xi32>
        %eq3A_169 = arith.constant 0 : i32
        %eq3A_170 = vector.broadcast %eq3A_169 : i32 to vector<16xi32>
        %eq3A_171 = arith.cmpi eq, %get3A_168, %eq3A_170 : vector<16xi32>
        %shift_right_arithmetic3A_172 = arith.constant 20 : i32
        %shift_right_arithmetic3A_173 = vector.broadcast %shift_right_arithmetic3A_172 : i32 to vector<16xi32>
        %shift_right_arithmetic3A_174 = arith.shrsi %bitcast3A, %shift_right_arithmetic3A_173 : vector<16xi32>
        %eq3A_175 = vector.broadcast %scan3A_89#2 : i32 to vector<16xi32>
        %eq3A_176 = arith.cmpi eq, %shift_right_arithmetic3A_174, %eq3A_175 : vector<16xi32>
        %and3A = arith.andi %eq3A_171, %eq3A_176 : vector<16xi1>
        %shift_right_arithmetic3A_177 = arith.constant 10 : i32
        %shift_right_arithmetic3A_178 = vector.broadcast %shift_right_arithmetic3A_177 : i32 to vector<16xi32>
        %shift_right_arithmetic3A_179 = arith.shrsi %bitcast3A, %shift_right_arithmetic3A_178 : vector<16xi32>
        %and3A_180 = arith.constant 1023 : i32
        %and3A_181 = vector.broadcast %and3A_180 : i32 to vector<16xi32>
        %and3A_182 = arith.andi %shift_right_arithmetic3A_179, %and3A_181 : vector<16xi32>
        tpu.vector_store_idx %arg11[%and3A_182], %broadcast_in_dim3A_103 masked %and3A {add = true} : memref<2048xi32, #tpu.memory_space<vmem>>[vector<16xi32>], vector<16xi32>, vector<16xi1>
        tpu.vector_store_idx %arg12[%and3A_182], %get3A_166 masked %and3A {add = true} : memref<2048xf32, #tpu.memory_space<vmem>>[vector<16xi32>], vector<16xf32>, vector<16xi1>
        %scan3A_183 = arith.constant 0 : i32
        scf.yield %scan3A_183 : i32
      }
      %scan3A_110 = arith.constant 560 : i32
      %iota3A_111 = tpu.iota {dimensions = array<i32: 0>} : vector<16xi32>
      %scan3A_112 = arith.constant 0 : i32
      %scan3A_113 = arith.constant 0 : i32
      %scan3A_114 = arith.constant false
      %scan3A_115 = arith.constant 0 : i32
      %scan3A_116 = arith.constant 64 : i32
      %scan3A_117 = arith.addi %scan3A_115, %scan3A_116 : i32
      %scan3A_118 = arith.constant 1 : i32
      %scan3A_119:5 = scf.for %scan3A_162 = %scan3A_115 to %scan3A_117 step %scan3A_118 iter_args(%scan3A_163 = %scan3A_89#0, %scan3A_164 = %scan3A_89#1, %scan3A_165 = %scan3A_112, %scan3A_166 = %scan3A_113, %scan3A_167 = %scan3A_114) -> (i32, f32, i32, i32, i1)  : i32 {
        %sub3A_168 = arith.constant 63 : i32
        %sub3A_169 = arith.subi %sub3A_168, %scan3A_162 : i32
        %mul3A_170 = arith.constant 16 : i32
        %mul3A_171 = arith.muli %sub3A_169, %mul3A_170 : i32
        %get3A = arith.index_cast %mul3A_171 : i32 to index
        %get3A_172 = tpu.vector_load %arg11[%get3A] {strides = array<i32>} : memref<2048xi32, #tpu.memory_space<vmem>>, vector<16xi32>,
        %mul3A_173 = arith.constant 16 : i32
        %mul3A_174 = arith.muli %sub3A_169, %mul3A_173 : i32
        %get3A_175 = arith.index_cast %mul3A_174 : i32 to index
        %get3A_176 = tpu.vector_load %arg12[%get3A_175] {strides = array<i32>} : memref<2048xf32, #tpu.memory_space<vmem>>, vector<16xf32>,
        %rev3A = arith.constant 15 : i32
        %rev3A_177 = vector.broadcast %rev3A : i32 to vector<16xi32>
        %rev3A_178 = tpu.iota {dimensions = array<i32: 0>} : vector<16xi32>
        %rev3A_179 = arith.subi %rev3A_177, %rev3A_178 : vector<16xi32>
        %rev3A_180 = tpu.dynamic_gather %get3A_172[%rev3A_179] in [0] : vector<16xi32>, vector<16xi32> -> vector<16xi32>
        %rev3A_181 = arith.constant 15 : i32
        %rev3A_182 = vector.broadcast %rev3A_181 : i32 to vector<16xi32>
        %rev3A_183 = tpu.iota {dimensions = array<i32: 0>} : vector<16xi32>
        %rev3A_184 = arith.subi %rev3A_182, %rev3A_183 : vector<16xi32>
        %rev3A_185 = tpu.dynamic_gather %get3A_176[%rev3A_184] in [0] : vector<16xf32>, vector<16xi32> -> vector<16xf32>
        %broadcast_in_dim3A_186 = arith.constant true
        %broadcast_in_dim3A_187 = vector.broadcast %broadcast_in_dim3A_186 : i1 to vector<16xi1>
        %masked_cumsum3A = tpu.scan <sum>, %rev3A_180 masked %broadcast_in_dim3A_187 : vector<16xi32>, vector<16xi1> -> vector<16xi32>
        %broadcast_in_dim3A_188 = arith.constant true
        %broadcast_in_dim3A_189 = vector.broadcast %broadcast_in_dim3A_188 : i1 to vector<16xi1>
        %masked_cumsum3A_190 = tpu.scan <sum>, %rev3A_185 masked %broadcast_in_dim3A_189 : vector<16xf32>, vector<16xi1> -> vector<16xf32>
        %add3A_191 = vector.broadcast %scan3A_163 : i32 to vector<16xi32>
        %add3A_192 = arith.addi %add3A_191, %masked_cumsum3A : vector<16xi32>
        %ge3A_193 = vector.broadcast %mul3A_25 : i32 to vector<16xi32>
        %ge3A_194 = arith.cmpi sge, %add3A_192, %ge3A_193 : vector<16xi32>
        %jit3A_195 = arith.constant 16 : i32
        %broadcast_in_dim3A_196 = vector.broadcast %jit3A_195 : i32 to vector<16xi32>
        %select_n3A_197 = arith.select %ge3A_194, %iota3A_111, %broadcast_in_dim3A_196 : vector<16xi1>, vector<16xi32>
        %reduce_min3A = arith.constant true
        %reduce_min3A_198 = vector.broadcast %reduce_min3A : i1 to vector<16xi1>
        %reduce_min3A_199 = arith.constant -2147483648 : i32
        %reduce_min3A_200 = vector.broadcast %reduce_min3A_199 : i32 to vector<16xi32>
        %reduce_min3A_201 = arith.xori %select_n3A_197, %reduce_min3A_200 : vector<16xi32>
        %reduce_min3A_202 = tpu.scan <min>, %reduce_min3A_201 masked %reduce_min3A_198 : vector<16xi32>, vector<16xi1> -> vector<16xi32>
        %reduce_min3A_203 = arith.xori %reduce_min3A_202, %reduce_min3A_200 : vector<16xi32>
        %reduce_min3A_204 = vector.extract %reduce_min3A_203[15] : i32 from vector<16xi32>
        %lt3A = arith.constant 16 : i32
        %lt3A_205 = arith.cmpi slt, %reduce_min3A_204, %lt3A : i32
        %eq3A_206 = vector.broadcast %reduce_min3A_204 : i32 to vector<16xi32>
        %eq3A_207 = arith.cmpi eq, %iota3A_111, %eq3A_206 : vector<16xi32>
        %jit3A_208 = arith.constant 0 : i32
        %broadcast_in_dim3A_209 = vector.broadcast %jit3A_208 : i32 to vector<16xi32>
        %select_n3A_210 = arith.select %eq3A_207, %masked_cumsum3A, %broadcast_in_dim3A_209 : vector<16xi1>, vector<16xi32>
        %reduce_sum3A_211 = arith.constant true
        %reduce_sum3A_212 = vector.broadcast %reduce_sum3A_211 : i1 to vector<16xi1>
        %reduce_sum3A_213 = tpu.scan <sum>, %select_n3A_210 masked %reduce_sum3A_212 : vector<16xi32>, vector<16xi1> -> vector<16xi32>
        %reduce_sum3A_214 = vector.extract %reduce_sum3A_213[15] : i32 from vector<16xi32>
        %jit3A_215 = arith.constant 0 : i32
        %broadcast_in_dim3A_216 = vector.broadcast %jit3A_215 : i32 to vector<16xi32>
        %select_n3A_217 = arith.select %eq3A_207, %rev3A_180, %broadcast_in_dim3A_216 : vector<16xi1>, vector<16xi32>
        %reduce_sum3A_218 = arith.constant true
        %reduce_sum3A_219 = vector.broadcast %reduce_sum3A_218 : i1 to vector<16xi1>
        %reduce_sum3A_220 = tpu.scan <sum>, %select_n3A_217 masked %reduce_sum3A_219 : vector<16xi32>, vector<16xi1> -> vector<16xi32>
        %reduce_sum3A_221 = vector.extract %reduce_sum3A_220[15] : i32 from vector<16xi32>
        %jit3A_222 = arith.constant 0.000000e+00 : f32
        %broadcast_in_dim3A_223 = vector.broadcast %jit3A_222 : f32 to vector<16xf32>
        %select_n3A_224 = arith.select %eq3A_207, %masked_cumsum3A_190, %broadcast_in_dim3A_223 : vector<16xi1>, vector<16xf32>
        %reduce_sum3A_225 = arith.constant true
        %reduce_sum3A_226 = vector.broadcast %reduce_sum3A_225 : i1 to vector<16xi1>
        %reduce_sum3A_227 = tpu.scan <sum>, %select_n3A_224 masked %reduce_sum3A_226 : vector<16xf32>, vector<16xi1> -> vector<16xf32>
        %reduce_sum3A_228 = vector.extract %reduce_sum3A_227[15] : f32 from vector<16xf32>
        %jit3A_229 = arith.constant 0.000000e+00 : f32
        %broadcast_in_dim3A_230 = vector.broadcast %jit3A_229 : f32 to vector<16xf32>
        %select_n3A_231 = arith.select %eq3A_207, %rev3A_185, %broadcast_in_dim3A_230 : vector<16xi1>, vector<16xf32>
        %reduce_sum3A_232 = arith.constant true
        %reduce_sum3A_233 = vector.broadcast %reduce_sum3A_232 : i1 to vector<16xi1>
        %reduce_sum3A_234 = tpu.scan <sum>, %select_n3A_231 masked %reduce_sum3A_233 : vector<16xf32>, vector<16xi1> -> vector<16xf32>
        %reduce_sum3A_235 = vector.extract %reduce_sum3A_234[15] : f32 from vector<16xf32>
        %reduce_sum3A_236 = arith.constant true
        %reduce_sum3A_237 = vector.broadcast %reduce_sum3A_236 : i1 to vector<16xi1>
        %reduce_sum3A_238 = tpu.scan <sum>, %get3A_172 masked %reduce_sum3A_237 : vector<16xi32>, vector<16xi1> -> vector<16xi32>
        %reduce_sum3A_239 = vector.extract %reduce_sum3A_238[15] : i32 from vector<16xi32>
        %reduce_sum3A_240 = arith.constant true
        %reduce_sum3A_241 = vector.broadcast %reduce_sum3A_240 : i1 to vector<16xi1>
        %reduce_sum3A_242 = tpu.scan <sum>, %get3A_176 masked %reduce_sum3A_241 : vector<16xf32>, vector<16xi1> -> vector<16xf32>
        %reduce_sum3A_243 = vector.extract %reduce_sum3A_242[15] : f32 from vector<16xf32>
        %or3A_244 = arith.ori %scan3A_167, %lt3A_205 : i1
        %add3A_245 = arith.addi %scan3A_163, %reduce_sum3A_214 : i32
        %sub3A_246 = arith.subi %add3A_245, %reduce_sum3A_221 : i32
        %add3A_247 = arith.addi %scan3A_163, %reduce_sum3A_239 : i32
        %select_n3A_248 = arith.select %lt3A_205, %sub3A_246, %add3A_247 : i32
        %select_n3A_249 = arith.select %scan3A_167, %scan3A_163, %select_n3A_248 : i32
        %add3A_250 = arith.addf %scan3A_164, %reduce_sum3A_228 : f32
        %sub3A_251 = arith.subf %add3A_250, %reduce_sum3A_235 : f32
        %add3A_252 = arith.addf %scan3A_164, %reduce_sum3A_243 : f32
        %select_n3A_253 = arith.select %lt3A_205, %sub3A_251, %add3A_252 : f32
        %select_n3A_254 = arith.select %scan3A_167, %scan3A_164, %select_n3A_253 : f32
        %mul3A_255 = arith.constant 16 : i32
        %mul3A_256 = arith.muli %sub3A_169, %mul3A_255 : i32
        %add3A_257 = arith.constant 15 : i32
        %add3A_258 = arith.addi %mul3A_256, %add3A_257 : i32
        %sub3A_259 = arith.subi %add3A_258, %reduce_min3A_204 : i32
        %select_n3A_260 = arith.select %lt3A_205, %sub3A_259, %scan3A_165 : i32
        %select_n3A_261 = arith.select %scan3A_167, %scan3A_165, %select_n3A_260 : i32
        %select_n3A_262 = arith.select %lt3A_205, %reduce_sum3A_221, %scan3A_166 : i32
        %select_n3A_263 = arith.select %scan3A_167, %scan3A_166, %select_n3A_262 : i32
        scf.yield %select_n3A_249, %select_n3A_254, %select_n3A_261, %select_n3A_263, %or3A_244 : i32, f32, i32, i32, i1
      }
      %scan3A_120 = arith.constant 64 : i32
      %broadcast_in_dim3A_121 = arith.constant 0 : i32
      %broadcast_in_dim3A_122 = vector.broadcast %broadcast_in_dim3A_121 : i32 to vector<16xi32>
      %broadcast_in_dim3A_123 = arith.constant 0.000000e+00 : f32
      %broadcast_in_dim3A_124 = vector.broadcast %broadcast_in_dim3A_123 : f32 to vector<16xf32>
      %scan3A_125 = arith.constant 0 : i32
      %scan3A_126 = arith.constant 0 : i32
      %scan3A_127 = arith.constant 64 : i32
      %scan3A_128 = arith.addi %scan3A_126, %scan3A_127 : i32
      %scan3A_129 = arith.constant 1 : i32
      %scan3A_130 = scf.for %scan3A_162 = %scan3A_126 to %scan3A_128 step %scan3A_129 iter_args(%scan3A_163 = %scan3A_125) -> (i32)  : i32 {
        %mul3A_164 = arith.constant 16 : i32
        %mul3A_165 = arith.muli %scan3A_162, %mul3A_164 : i32
        %swap3A_166 = arith.index_cast %mul3A_165 : i32 to index
        %swap3A_167 = tpu.vector_load %arg11[%swap3A_166] {strides = array<i32>} : memref<2048xi32, #tpu.memory_space<vmem>>, vector<16xi32>,
        tpu.vector_store %arg11[%swap3A_166], %broadcast_in_dim3A_122 {strides = array<i32>} : memref<2048xi32, #tpu.memory_space<vmem>>, vector<16xi32>,
        %mul3A_168 = arith.constant 16 : i32
        %mul3A_169 = arith.muli %scan3A_162, %mul3A_168 : i32
        %swap3A_170 = arith.index_cast %mul3A_169 : i32 to index
        %swap3A_171 = tpu.vector_load %arg12[%swap3A_170] {strides = array<i32>} : memref<2048xf32, #tpu.memory_space<vmem>>, vector<16xf32>,
        tpu.vector_store %arg12[%swap3A_170], %broadcast_in_dim3A_124 {strides = array<i32>} : memref<2048xf32, #tpu.memory_space<vmem>>, vector<16xf32>,
        %scan3A_172 = arith.constant 0 : i32
        scf.yield %scan3A_172 : i32
      }
      %scan3A_131 = arith.constant 64 : i32
      %shift_left3A = arith.constant 10 : i32
      %shift_left3A_132 = arith.shli %scan3A_89#2, %shift_left3A : i32
      %or3A = arith.ori %shift_left3A_132, %scan3A_119#2 : i32
      %broadcast_in_dim3A_133 = arith.constant 1 : i32
      %broadcast_in_dim3A_134 = vector.broadcast %broadcast_in_dim3A_133 : i32 to vector<16xi32>
      %scan3A_135 = arith.constant 0 : i32
      %scan3A_136 = arith.constant 0 : i32
      %scan3A_137 = arith.constant 560 : i32
      %scan3A_138 = arith.addi %scan3A_136, %scan3A_137 : i32
      %scan3A_139 = arith.constant 1 : i32
      %scan3A_140 = scf.for %scan3A_162 = %scan3A_136 to %scan3A_138 step %scan3A_139 iter_args(%scan3A_163 = %scan3A_135) -> (i32)  : i32 {
        %mul3A_164 = arith.constant 16 : i32
        %mul3A_165 = arith.muli %scan3A_162, %mul3A_164 : i32
        %get3A = arith.index_cast %mul3A_165 : i32 to index
        %get3A_166 = tpu.vector_load %arg7[%get3A] {strides = array<i32>} : memref<8960xf32, #tpu.memory_space<vmem>>, vector<16xf32>,
        %get3A_167 = arith.index_cast %mul3A_165 : i32 to index
        %get3A_168 = tpu.vector_load %arg8[%get3A_167] {strides = array<i32>} : memref<8960xi32, #tpu.memory_space<vmem>>, vector<16xi32>,
        %bitcast3A = vector.bitcast %get3A_166 : vector<16xf32> to vector<16xi32>
        %eq3A_169 = arith.constant 0 : i32
        %eq3A_170 = vector.broadcast %eq3A_169 : i32 to vector<16xi32>
        %eq3A_171 = arith.cmpi eq, %get3A_168, %eq3A_170 : vector<16xi32>
        %shift_right_arithmetic3A_172 = arith.constant 10 : i32
        %shift_right_arithmetic3A_173 = vector.broadcast %shift_right_arithmetic3A_172 : i32 to vector<16xi32>
        %shift_right_arithmetic3A_174 = arith.shrsi %bitcast3A, %shift_right_arithmetic3A_173 : vector<16xi32>
        %eq3A_175 = vector.broadcast %or3A : i32 to vector<16xi32>
        %eq3A_176 = arith.cmpi eq, %shift_right_arithmetic3A_174, %eq3A_175 : vector<16xi32>
        %and3A = arith.andi %eq3A_171, %eq3A_176 : vector<16xi1>
        %shift_right_arithmetic3A_177 = arith.constant 0 : i32
        %shift_right_arithmetic3A_178 = vector.broadcast %shift_right_arithmetic3A_177 : i32 to vector<16xi32>
        %shift_right_arithmetic3A_179 = arith.shrsi %bitcast3A, %shift_right_arithmetic3A_178 : vector<16xi32>
        %and3A_180 = arith.constant 1023 : i32
        %and3A_181 = vector.broadcast %and3A_180 : i32 to vector<16xi32>
        %and3A_182 = arith.andi %shift_right_arithmetic3A_179, %and3A_181 : vector<16xi32>
        tpu.vector_store_idx %arg11[%and3A_182], %broadcast_in_dim3A_134 masked %and3A {add = true} : memref<2048xi32, #tpu.memory_space<vmem>>[vector<16xi32>], vector<16xi32>, vector<16xi1>
        tpu.vector_store_idx %arg12[%and3A_182], %get3A_166 masked %and3A {add = true} : memref<2048xf32, #tpu.memory_space<vmem>>[vector<16xi32>], vector<16xf32>, vector<16xi1>
        %scan3A_183 = arith.constant 0 : i32
        scf.yield %scan3A_183 : i32
      }
      %scan3A_141 = arith.constant 560 : i32
      %iota3A_142 = tpu.iota {dimensions = array<i32: 0>} : vector<16xi32>
      %scan3A_143 = arith.constant 0 : i32
      %scan3A_144 = arith.constant 0 : i32
      %scan3A_145 = arith.constant false
      %scan3A_146 = arith.constant 0 : i32
      %scan3A_147 = arith.constant 64 : i32
      %scan3A_148 = arith.addi %scan3A_146, %scan3A_147 : i32
      %scan3A_149 = arith.constant 1 : i32
      %scan3A_150:5 = scf.for %scan3A_162 = %scan3A_146 to %scan3A_148 step %scan3A_149 iter_args(%scan3A_163 = %scan3A_119#0, %scan3A_164 = %scan3A_119#1, %scan3A_165 = %scan3A_143, %scan3A_166 = %scan3A_144, %scan3A_167 = %scan3A_145) -> (i32, f32, i32, i32, i1)  : i32 {
        %sub3A_168 = arith.constant 63 : i32
        %sub3A_169 = arith.subi %sub3A_168, %scan3A_162 : i32
        %mul3A_170 = arith.constant 16 : i32
        %mul3A_171 = arith.muli %sub3A_169, %mul3A_170 : i32
        %get3A = arith.index_cast %mul3A_171 : i32 to index
        %get3A_172 = tpu.vector_load %arg11[%get3A] {strides = array<i32>} : memref<2048xi32, #tpu.memory_space<vmem>>, vector<16xi32>,
        %mul3A_173 = arith.constant 16 : i32
        %mul3A_174 = arith.muli %sub3A_169, %mul3A_173 : i32
        %get3A_175 = arith.index_cast %mul3A_174 : i32 to index
        %get3A_176 = tpu.vector_load %arg12[%get3A_175] {strides = array<i32>} : memref<2048xf32, #tpu.memory_space<vmem>>, vector<16xf32>,
        %rev3A = arith.constant 15 : i32
        %rev3A_177 = vector.broadcast %rev3A : i32 to vector<16xi32>
        %rev3A_178 = tpu.iota {dimensions = array<i32: 0>} : vector<16xi32>
        %rev3A_179 = arith.subi %rev3A_177, %rev3A_178 : vector<16xi32>
        %rev3A_180 = tpu.dynamic_gather %get3A_172[%rev3A_179] in [0] : vector<16xi32>, vector<16xi32> -> vector<16xi32>
        %rev3A_181 = arith.constant 15 : i32
        %rev3A_182 = vector.broadcast %rev3A_181 : i32 to vector<16xi32>
        %rev3A_183 = tpu.iota {dimensions = array<i32: 0>} : vector<16xi32>
        %rev3A_184 = arith.subi %rev3A_182, %rev3A_183 : vector<16xi32>
        %rev3A_185 = tpu.dynamic_gather %get3A_176[%rev3A_184] in [0] : vector<16xf32>, vector<16xi32> -> vector<16xf32>
        %broadcast_in_dim3A_186 = arith.constant true
        %broadcast_in_dim3A_187 = vector.broadcast %broadcast_in_dim3A_186 : i1 to vector<16xi1>
        %masked_cumsum3A = tpu.scan <sum>, %rev3A_180 masked %broadcast_in_dim3A_187 : vector<16xi32>, vector<16xi1> -> vector<16xi32>
        %broadcast_in_dim3A_188 = arith.constant true
        %broadcast_in_dim3A_189 = vector.broadcast %broadcast_in_dim3A_188 : i1 to vector<16xi1>
        %masked_cumsum3A_190 = tpu.scan <sum>, %rev3A_185 masked %broadcast_in_dim3A_189 : vector<16xf32>, vector<16xi1> -> vector<16xf32>
        %add3A_191 = vector.broadcast %scan3A_163 : i32 to vector<16xi32>
        %add3A_192 = arith.addi %add3A_191, %masked_cumsum3A : vector<16xi32>
        %ge3A_193 = vector.broadcast %mul3A_25 : i32 to vector<16xi32>
        %ge3A_194 = arith.cmpi sge, %add3A_192, %ge3A_193 : vector<16xi32>
        %jit3A_195 = arith.constant 16 : i32
        %broadcast_in_dim3A_196 = vector.broadcast %jit3A_195 : i32 to vector<16xi32>
        %select_n3A_197 = arith.select %ge3A_194, %iota3A_142, %broadcast_in_dim3A_196 : vector<16xi1>, vector<16xi32>
        %reduce_min3A = arith.constant true
        %reduce_min3A_198 = vector.broadcast %reduce_min3A : i1 to vector<16xi1>
        %reduce_min3A_199 = arith.constant -2147483648 : i32
        %reduce_min3A_200 = vector.broadcast %reduce_min3A_199 : i32 to vector<16xi32>
        %reduce_min3A_201 = arith.xori %select_n3A_197, %reduce_min3A_200 : vector<16xi32>
        %reduce_min3A_202 = tpu.scan <min>, %reduce_min3A_201 masked %reduce_min3A_198 : vector<16xi32>, vector<16xi1> -> vector<16xi32>
        %reduce_min3A_203 = arith.xori %reduce_min3A_202, %reduce_min3A_200 : vector<16xi32>
        %reduce_min3A_204 = vector.extract %reduce_min3A_203[15] : i32 from vector<16xi32>
        %lt3A = arith.constant 16 : i32
        %lt3A_205 = arith.cmpi slt, %reduce_min3A_204, %lt3A : i32
        %eq3A_206 = vector.broadcast %reduce_min3A_204 : i32 to vector<16xi32>
        %eq3A_207 = arith.cmpi eq, %iota3A_142, %eq3A_206 : vector<16xi32>
        %jit3A_208 = arith.constant 0 : i32
        %broadcast_in_dim3A_209 = vector.broadcast %jit3A_208 : i32 to vector<16xi32>
        %select_n3A_210 = arith.select %eq3A_207, %masked_cumsum3A, %broadcast_in_dim3A_209 : vector<16xi1>, vector<16xi32>
        %reduce_sum3A_211 = arith.constant true
        %reduce_sum3A_212 = vector.broadcast %reduce_sum3A_211 : i1 to vector<16xi1>
        %reduce_sum3A_213 = tpu.scan <sum>, %select_n3A_210 masked %reduce_sum3A_212 : vector<16xi32>, vector<16xi1> -> vector<16xi32>
        %reduce_sum3A_214 = vector.extract %reduce_sum3A_213[15] : i32 from vector<16xi32>
        %jit3A_215 = arith.constant 0 : i32
        %broadcast_in_dim3A_216 = vector.broadcast %jit3A_215 : i32 to vector<16xi32>
        %select_n3A_217 = arith.select %eq3A_207, %rev3A_180, %broadcast_in_dim3A_216 : vector<16xi1>, vector<16xi32>
        %reduce_sum3A_218 = arith.constant true
        %reduce_sum3A_219 = vector.broadcast %reduce_sum3A_218 : i1 to vector<16xi1>
        %reduce_sum3A_220 = tpu.scan <sum>, %select_n3A_217 masked %reduce_sum3A_219 : vector<16xi32>, vector<16xi1> -> vector<16xi32>
        %reduce_sum3A_221 = vector.extract %reduce_sum3A_220[15] : i32 from vector<16xi32>
        %jit3A_222 = arith.constant 0.000000e+00 : f32
        %broadcast_in_dim3A_223 = vector.broadcast %jit3A_222 : f32 to vector<16xf32>
        %select_n3A_224 = arith.select %eq3A_207, %masked_cumsum3A_190, %broadcast_in_dim3A_223 : vector<16xi1>, vector<16xf32>
        %reduce_sum3A_225 = arith.constant true
        %reduce_sum3A_226 = vector.broadcast %reduce_sum3A_225 : i1 to vector<16xi1>
        %reduce_sum3A_227 = tpu.scan <sum>, %select_n3A_224 masked %reduce_sum3A_226 : vector<16xf32>, vector<16xi1> -> vector<16xf32>
        %reduce_sum3A_228 = vector.extract %reduce_sum3A_227[15] : f32 from vector<16xf32>
        %jit3A_229 = arith.constant 0.000000e+00 : f32
        %broadcast_in_dim3A_230 = vector.broadcast %jit3A_229 : f32 to vector<16xf32>
        %select_n3A_231 = arith.select %eq3A_207, %rev3A_185, %broadcast_in_dim3A_230 : vector<16xi1>, vector<16xf32>
        %reduce_sum3A_232 = arith.constant true
        %reduce_sum3A_233 = vector.broadcast %reduce_sum3A_232 : i1 to vector<16xi1>
        %reduce_sum3A_234 = tpu.scan <sum>, %select_n3A_231 masked %reduce_sum3A_233 : vector<16xf32>, vector<16xi1> -> vector<16xf32>
        %reduce_sum3A_235 = vector.extract %reduce_sum3A_234[15] : f32 from vector<16xf32>
        %reduce_sum3A_236 = arith.constant true
        %reduce_sum3A_237 = vector.broadcast %reduce_sum3A_236 : i1 to vector<16xi1>
        %reduce_sum3A_238 = tpu.scan <sum>, %get3A_172 masked %reduce_sum3A_237 : vector<16xi32>, vector<16xi1> -> vector<16xi32>
        %reduce_sum3A_239 = vector.extract %reduce_sum3A_238[15] : i32 from vector<16xi32>
        %reduce_sum3A_240 = arith.constant true
        %reduce_sum3A_241 = vector.broadcast %reduce_sum3A_240 : i1 to vector<16xi1>
        %reduce_sum3A_242 = tpu.scan <sum>, %get3A_176 masked %reduce_sum3A_241 : vector<16xf32>, vector<16xi1> -> vector<16xf32>
        %reduce_sum3A_243 = vector.extract %reduce_sum3A_242[15] : f32 from vector<16xf32>
        %or3A_244 = arith.ori %scan3A_167, %lt3A_205 : i1
        %add3A_245 = arith.addi %scan3A_163, %reduce_sum3A_214 : i32
        %sub3A_246 = arith.subi %add3A_245, %reduce_sum3A_221 : i32
        %add3A_247 = arith.addi %scan3A_163, %reduce_sum3A_239 : i32
        %select_n3A_248 = arith.select %lt3A_205, %sub3A_246, %add3A_247 : i32
        %select_n3A_249 = arith.select %scan3A_167, %scan3A_163, %select_n3A_248 : i32
        %add3A_250 = arith.addf %scan3A_164, %reduce_sum3A_228 : f32
        %sub3A_251 = arith.subf %add3A_250, %reduce_sum3A_235 : f32
        %add3A_252 = arith.addf %scan3A_164, %reduce_sum3A_243 : f32
        %select_n3A_253 = arith.select %lt3A_205, %sub3A_251, %add3A_252 : f32
        %select_n3A_254 = arith.select %scan3A_167, %scan3A_164, %select_n3A_253 : f32
        %mul3A_255 = arith.constant 16 : i32
        %mul3A_256 = arith.muli %sub3A_169, %mul3A_255 : i32
        %add3A_257 = arith.constant 15 : i32
        %add3A_258 = arith.addi %mul3A_256, %add3A_257 : i32
        %sub3A_259 = arith.subi %add3A_258, %reduce_min3A_204 : i32
        %select_n3A_260 = arith.select %lt3A_205, %sub3A_259, %scan3A_165 : i32
        %select_n3A_261 = arith.select %scan3A_167, %scan3A_165, %select_n3A_260 : i32
        %select_n3A_262 = arith.select %lt3A_205, %reduce_sum3A_221, %scan3A_166 : i32
        %select_n3A_263 = arith.select %scan3A_167, %scan3A_166, %select_n3A_262 : i32
        scf.yield %select_n3A_249, %select_n3A_254, %select_n3A_261, %select_n3A_263, %or3A_244 : i32, f32, i32, i32, i1
      }
      %scan3A_151 = arith.constant 64 : i32
      %shift_left3A_152 = arith.constant 10 : i32
      %shift_left3A_153 = arith.shli %or3A, %shift_left3A_152 : i32
      %or3A_154 = arith.ori %shift_left3A_153, %scan3A_150#2 : i32
      %bitcast_convert_type3A = arith.bitcast %or3A_154 : i32 to f32
      %sub3A = arith.subi %mul3A_25, %scan3A_150#0 : i32
      %jit3A_155 = arith.constant 0 : i32
      %max3A = arith.maxsi %jit3A_155, %sub3A : i32
      %min3A = arith.minsi %scan3A_150#3, %max3A : i32
      %gt3A = arith.constant 0 : i32
      %gt3A_156 = arith.cmpi sgt, %min3A, %gt3A : i32
      %convert_element_type3A_157 = arith.sitofp %min3A : i32 to f32
      %mul3A_158 = arith.mulf %convert_element_type3A_157, %bitcast_convert_type3A : f32
      %jit3A_159 = arith.constant 0.000000e+00 : f32
      %select_n3A_160 = arith.select %gt3A_156, %mul3A_158, %jit3A_159 : f32
      %add3A_161 = arith.addf %scan3A_150#1, %select_n3A_160 : f32
      scf.yield %add3A_161 : f32
    }
    %add3A_28 = arith.addf %reduce_sum3A_19, %cond3A_27 : f32
    %iota3A = tpu.iota {dimensions = array<i32: 0>} : vector<16xi32>
    %shift_right_arithmetic3A = arith.constant 2 : i32
    %shift_right_arithmetic3A_29 = vector.broadcast %shift_right_arithmetic3A : i32 to vector<16xi32>
    %shift_right_arithmetic3A_30 = arith.shrsi %iota3A, %shift_right_arithmetic3A_29 : vector<16xi32>
    %scan3A_31 = arith.constant 0 : i32
    %scan3A_32 = arith.constant 2183 : i32
    %scan3A_33 = arith.addi %scan3A_31, %scan3A_32 : i32
    %scan3A_34 = arith.constant 1 : i32
    %scan3A_35 = scf.for %scan3A_58 = %scan3A_31 to %scan3A_33 step %scan3A_34 iter_args(%scan3A_59 = %broadcast_in_dim3A_3) -> (vector<16xf32>)  : i32 {
      %mul3A_60 = arith.constant 16 : i32
      %mul3A_61 = arith.muli %scan3A_58, %mul3A_60 : i32
      %get3A = arith.index_cast %mul3A_61 : i32 to index
      %get3A_62 = tpu.vector_load %arg9[%get3A] {strides = array<i32>} : memref<34928xf32, #tpu.memory_space<vmem>>, vector<16xf32>,
      %get3A_63 = arith.index_cast %mul3A_61 : i32 to index
      %get3A_64 = tpu.vector_load %arg10[%get3A_63] {strides = array<i32>} : memref<34928xf32, #tpu.memory_space<vmem>>, vector<16xf32>,
      %mul3A_65 = arith.constant 4 : i32
      %mul3A_66 = arith.muli %scan3A_58, %mul3A_65 : i32
      %add3A_67 = vector.broadcast %mul3A_66 : i32 to vector<16xi32>
      %add3A_68 = arith.addi %add3A_67, %shift_right_arithmetic3A_30 : vector<16xi32>
      %gather3A = tpu.vector_load_idx %arg8[%add3A_68] : memref<8960xi32, #tpu.memory_space<vmem>>[vector<16xi32>], vector<16xi32>,
      %sub3A = arith.subf %get3A_62, %get3A_64 : vector<16xf32>
      %abs3A = math.absf %sub3A : vector<16xf32>
      %lt3A = arith.constant 1.000000e+00 : f32
      %lt3A_69 = vector.broadcast %lt3A : f32 to vector<16xf32>
      %lt3A_70 = arith.cmpf olt, %abs3A, %lt3A_69 : vector<16xf32>
      %mul3A_71 = arith.constant 5.000000e-01 : f32
      %mul3A_72 = vector.broadcast %mul3A_71 : f32 to vector<16xf32>
      %mul3A_73 = arith.mulf %mul3A_72, %sub3A : vector<16xf32>
      %mul3A_74 = arith.mulf %mul3A_73, %sub3A : vector<16xf32>
      %sub3A_75 = arith.constant 5.000000e-01 : f32
      %sub3A_76 = vector.broadcast %sub3A_75 : f32 to vector<16xf32>
      %sub3A_77 = arith.subf %abs3A, %sub3A_76 : vector<16xf32>
      %select_n3A_78 = arith.select %lt3A_70, %mul3A_74, %sub3A_77 : vector<16xi1>, vector<16xf32>
      %gt3A = arith.constant 0 : i32
      %gt3A_79 = vector.broadcast %gt3A : i32 to vector<16xi32>
      %gt3A_80 = arith.cmpi sgt, %gather3A, %gt3A_79 : vector<16xi32>
      %jit3A_81 = arith.constant 0.000000e+00 : f32
      %broadcast_in_dim3A_82 = vector.broadcast %jit3A_81 : f32 to vector<16xf32>
      %select_n3A_83 = arith.select %gt3A_80, %select_n3A_78, %broadcast_in_dim3A_82 : vector<16xi1>, vector<16xf32>
      %add3A_84 = arith.addf %scan3A_59, %select_n3A_83 : vector<16xf32>
      scf.yield %add3A_84 : vector<16xf32>
    }
    %scan3A_36 = arith.constant 2183 : i32
    %reduce_sum3A_37 = arith.constant true
    %reduce_sum3A_38 = vector.broadcast %reduce_sum3A_37 : i1 to vector<16xi1>
    %reduce_sum3A_39 = tpu.scan <sum>, %scan3A_35 masked %reduce_sum3A_38 : vector<16xf32>, vector<16xi1> -> vector<16xf32>
    %reduce_sum3A_40 = vector.extract %reduce_sum3A_39[15] : f32 from vector<16xf32>
    %iota3A_41 = tpu.iota {dimensions = array<i32: 0>} : vector<16xi32>
    %eq3A = arith.constant 0 : i32
    %eq3A_42 = vector.broadcast %eq3A : i32 to vector<16xi32>
    %eq3A_43 = arith.cmpi eq, %iota3A_41, %eq3A_42 : vector<16xi32>
    %eq3A_44 = arith.constant 1 : i32
    %eq3A_45 = vector.broadcast %eq3A_44 : i32 to vector<16xi32>
    %eq3A_46 = arith.cmpi eq, %iota3A_41, %eq3A_45 : vector<16xi32>
    %convert_element_type3A_47 = arith.sitofp %reduce_sum3A_11 : i32 to f32
    %eq3A_48 = arith.constant 2 : i32
    %eq3A_49 = vector.broadcast %eq3A_48 : i32 to vector<16xi32>
    %eq3A_50 = arith.cmpi eq, %iota3A_41, %eq3A_49 : vector<16xi32>
    %jit3A = arith.constant 0.000000e+00 : f32
    %broadcast_in_dim3A_51 = vector.broadcast %reduce_sum3A_40 : f32 to vector<16xf32>
    %broadcast_in_dim3A_52 = vector.broadcast %jit3A : f32 to vector<16xf32>
    %select_n3A = arith.select %eq3A_50, %broadcast_in_dim3A_51, %broadcast_in_dim3A_52 : vector<16xi1>, vector<16xf32>
    %broadcast_in_dim3A_53 = vector.broadcast %convert_element_type3A_47 : f32 to vector<16xf32>
    %select_n3A_54 = arith.select %eq3A_46, %broadcast_in_dim3A_53, %select_n3A : vector<16xi1>, vector<16xf32>
    %broadcast_in_dim3A_55 = vector.broadcast %add3A_28 : f32 to vector<16xf32>
    %select_n3A_56 = arith.select %eq3A_43, %broadcast_in_dim3A_55, %select_n3A_54 : vector<16xi1>, vector<16xf32>
    %swap3A = arith.constant 0 : index
    %swap3A_57 = tpu.vector_load %arg13[%swap3A] {strides = array<i32>} : memref<16xf32, #tpu.memory_space<vmem>>, vector<16xf32>,
    tpu.vector_store %arg13[%swap3A], %select_n3A_56 {strides = array<i32>} : memref<16xf32, #tpu.memory_space<vmem>>, vector<16xf32>,
    "tpu.region"() ({
      %run_scoped3A = tpu.sem_alloc : memref<!tpu.dma_semaphore, #tpu.memory_space<semaphore_mem>>
      %dma_start3A = arith.constant 0 : i32
      %dma_start3A_58 = tpu.memref_slice %arg6[%add3A, %dma_start3A] : memref<32x16xf32, #tpu.memory_space<hbm>> -> memref<1x16xf32, #tpu.memory_space<hbm>>
      %dma_start3A_59 = tpu.memref_squeeze %dma_start3A_58 : memref<1x16xf32, #tpu.memory_space<hbm>> -> memref<16xf32, #tpu.memory_space<hbm>>
      %dma_start3A_60 = arith.constant 0 : i32
      %dma_start3A_61 = tpu.memref_slice %arg6[%add3A, %dma_start3A_60] : memref<32x16xf32, #tpu.memory_space<hbm>> -> memref<1x16xf32, #tpu.memory_space<hbm>>
      %dma_start3A_62 = tpu.memref_squeeze %dma_start3A_61 : memref<1x16xf32, #tpu.memory_space<hbm>> -> memref<16xf32, #tpu.memory_space<hbm>>
      tpu.enqueue_dma source(%arg13 : memref<16xf32, #tpu.memory_space<vmem>>) target(%dma_start3A_62 : memref<16xf32, #tpu.memory_space<hbm>>) target_semaphore(%run_scoped3A : memref<!tpu.dma_semaphore, #tpu.memory_space<semaphore_mem>>)
      %dma_wait3A = arith.constant 0 : i32
      %dma_wait3A_63 = tpu.memref_slice %arg6[%add3A, %dma_wait3A] : memref<32x16xf32, #tpu.memory_space<hbm>> -> memref<1x16xf32, #tpu.memory_space<hbm>>
      %dma_wait3A_64 = tpu.memref_squeeze %dma_wait3A_63 : memref<1x16xf32, #tpu.memory_space<hbm>> -> memref<16xf32, #tpu.memory_space<hbm>>
      %dma_wait3A_65 = arith.constant 0 : i32
      %dma_wait3A_66 = tpu.memref_slice %arg6[%add3A, %dma_wait3A_65] : memref<32x16xf32, #tpu.memory_space<hbm>> -> memref<1x16xf32, #tpu.memory_space<hbm>>
      %dma_wait3A_67 = tpu.memref_squeeze %dma_wait3A_66 : memref<1x16xf32, #tpu.memory_space<hbm>> -> memref<16xf32, #tpu.memory_space<hbm>>
      tpu.wait_dma2 semaphore(%run_scoped3A : memref<!tpu.dma_semaphore, #tpu.memory_space<semaphore_mem>>) src(%arg13 : memref<16xf32, #tpu.memory_space<vmem>>) dst(%dma_wait3A_67 : memref<16xf32, #tpu.memory_space<hbm>>)
      tpu.yield
    }) : () -> ()
    return
  }
}

module attributes {stable_mosaic.version = 14 : i64} {
  func.func @_tc_body(%arg0: i32, %arg1: i32, %arg2: memref<1x4480x81xf32, #tpu.memory_space<vmem>>, %arg3: memref<1x1x4480xi32, #tpu.memory_space<vmem>>, %arg4: memref<1x1x8960xf32, #tpu.memory_space<vmem>>, %arg5: memref<1x1x1x128xf32, #tpu.memory_space<vmem>>) attributes {dimension_semantics = [#tpu.dimension_semantics<parallel>, #tpu.dimension_semantics<parallel>], iteration_bounds = array<i64: 32, 2>, scalar_prefetch = 0 : i64, scratch_operands = 0 : i64, tpu.core_type = #tpu.core_type<tc>, window_params = [{transform_indices = @transform_0, window_bounds = array<i64: 1, 4480, 81>}, {transform_indices = @transform_1, window_bounds = array<i64: 1, 1, 4480>}, {transform_indices = @transform_2, window_bounds = array<i64: 1, 1, 8960>}, {transform_indices = @transform_3, window_bounds = array<i64: 1, 1, 1, 128>}]} {
    %get3A = arith.constant 0 : index
    %get3A_0 = arith.constant 0 : index
    %get3A_1 = arith.constant 0 : index
    %get3A_2 = vector.load %arg2[%get3A, %get3A_0, %get3A_1] : memref<1x4480x81xf32, #tpu.memory_space<vmem>>, vector<1x4480x81xf32>
    %get3A_3 = vector.shape_cast %get3A_2 : vector<1x4480x81xf32> to vector<4480x81xf32>
    %get3A_4 = arith.constant 0 : index
    %get3A_5 = arith.constant 0 : index
    %get3A_6 = arith.constant 0 : index
    %get3A_7 = vector.load %arg3[%get3A_4, %get3A_5, %get3A_6] : memref<1x1x4480xi32, #tpu.memory_space<vmem>>, vector<1x1x4480xi32>
    %get3A_8 = vector.shape_cast %get3A_7 : vector<1x1x4480xi32> to vector<1x4480xi32>
    %exp3A = math.exp %get3A_3 : vector<4480x81xf32>
    %broadcast_in_dim3A = arith.constant 1.000000e+00 : f32
    %broadcast_in_dim3A_9 = vector.broadcast %broadcast_in_dim3A : f32 to vector<81x1xf32>
    %dot_general3A = arith.constant dense<0.000000e+00> : vector<4480x1xf32>
    %dot_general3A_10 = tpu.matmul %exp3A, %broadcast_in_dim3A_9, %dot_general3A {dimension_numbers = #tpu.dot_dimension_numbers<[1], [0], [0], [1], [0, 0, 1, 1], [], []>, transpose_lhs_hint = false} : vector<4480x81xf32>, vector<81x1xf32>, vector<4480x1xf32> -> vector<4480x1xf32>
    %iota3A = tpu.iota {dimensions = array<i32: 0>} : vector<4480x1xi32>
    %mul3A = arith.constant 4480 : i32
    %mul3A_11 = arith.muli %arg1, %mul3A : i32
    %add3A = vector.broadcast %mul3A_11 : i32 to vector<4480x1xi32>
    %add3A_12 = arith.addi %add3A, %iota3A : vector<4480x1xi32>
    %lt3A = arith.constant 8732 : i32
    %lt3A_13 = vector.broadcast %lt3A : i32 to vector<4480x1xi32>
    %lt3A_14 = arith.cmpi slt, %add3A_12, %lt3A_13 : vector<4480x1xi32>
    %jit3A = arith.constant 0.000000e+00 : f32
    %broadcast_in_dim3A_15 = vector.shape_cast %lt3A_14 : vector<4480x1xi1> to vector<4480x1xi1>
    %broadcast_in_dim3A_16 = vector.broadcast %broadcast_in_dim3A_15 : vector<4480x1xi1> to vector<4480x81xi1>
    %broadcast_in_dim3A_17 = vector.broadcast %jit3A : f32 to vector<4480x81xf32>
    %select_n3A = arith.select %broadcast_in_dim3A_16, %get3A_3, %broadcast_in_dim3A_17 : vector<4480x81xi1>, vector<4480x81xf32>
    %iota3A_18 = tpu.iota {dimensions = array<i32: 0>} : vector<81x1xi32>
    %eq3A = vector.broadcast %iota3A_18 : vector<81x1xi32> to vector<81x4480xi32>
    %eq3A_19 = vector.broadcast %get3A_8 : vector<1x4480xi32> to vector<81x4480xi32>
    %eq3A_20 = arith.cmpi eq, %eq3A, %eq3A_19 : vector<81x4480xi32>
    %jit3A_21 = arith.constant 1.000000e+00 : f32
    %jit3A_22 = arith.constant 0.000000e+00 : f32
    %broadcast_in_dim3A_23 = vector.broadcast %jit3A_21 : f32 to vector<81x4480xf32>
    %broadcast_in_dim3A_24 = vector.broadcast %jit3A_22 : f32 to vector<81x4480xf32>
    %select_n3A_25 = arith.select %eq3A_20, %broadcast_in_dim3A_23, %broadcast_in_dim3A_24 : vector<81x4480xi1>, vector<81x4480xf32>
    %dot_general3A_26 = arith.constant dense<0.000000e+00> : vector<81x81xf32>
    %dot_general3A_27 = tpu.matmul %select_n3A_25, %select_n3A, %dot_general3A_26 {dimension_numbers = #tpu.dot_dimension_numbers<[1], [0], [0], [1], [0, 0, 1, 1], [], []>, transpose_lhs_hint = false} : vector<81x4480xf32>, vector<4480x81xf32>, vector<81x81xf32> -> vector<81x81xf32>
    %iota3A_28 = tpu.iota {dimensions = array<i32: 0>} : vector<81x81xi32>
    %iota3A_29 = tpu.iota {dimensions = array<i32: 1>} : vector<81x81xi32>
    %eq3A_30 = arith.cmpi eq, %iota3A_28, %iota3A_29 : vector<81x81xi32>
    %jit3A_31 = arith.constant 0.000000e+00 : f32
    %broadcast_in_dim3A_32 = vector.broadcast %jit3A_31 : f32 to vector<81x81xf32>
    %select_n3A_33 = arith.select %eq3A_30, %dot_general3A_27, %broadcast_in_dim3A_32 : vector<81x81xi1>, vector<81x81xf32>
    %reduce_sum3A = vector.shape_cast %select_n3A_33 : vector<81x81xf32> to vector<1x81x81xf32>
    %reduce_sum3A_34 = arith.constant dense<0.000000e+00> : vector<1xf32>
    %reduce_sum3A_35 = vector.multi_reduction <add>, %reduce_sum3A, %reduce_sum3A_34 [1, 2] : vector<1x81x81xf32> to vector<1xf32>
    %reduce_sum3A_36 = vector.shape_cast %reduce_sum3A_35 : vector<1xf32> to vector<1x1x1xf32>
    %reduce_sum3A_37 = vector.extract %reduce_sum3A_36[0, 0, 0] : f32 from vector<1x1x1xf32>
    %broadcast_in_dim3A_38 = arith.constant 1.000000e+00 : f32
    %broadcast_in_dim3A_39 = vector.broadcast %broadcast_in_dim3A_38 : f32 to vector<1x4480xf32>
    %dot_general3A_40 = arith.constant dense<0.000000e+00> : vector<1x81xf32>
    %dot_general3A_41 = tpu.matmul %broadcast_in_dim3A_39, %select_n3A, %dot_general3A_40 {dimension_numbers = #tpu.dot_dimension_numbers<[1], [0], [0], [1], [0, 0, 1, 1], [], []>, transpose_lhs_hint = false} : vector<1x4480xf32>, vector<4480x81xf32>, vector<1x81xf32> -> vector<1x81xf32>
    %slice3A = vector.extract_strided_slice %dot_general3A_41 {offsets = [0, 0], sizes = [1, 1], strides = [1, 1]} : vector<1x81xf32> to vector<1x1xf32>
    %squeeze3A = vector.extract %slice3A[0, 0] : f32 from vector<1x1xf32>
    %sub3A = arith.subf %reduce_sum3A_37, %squeeze3A : f32
    %slice3A_42 = vector.extract_strided_slice %get3A_3 {offsets = [0, 0], sizes = [4480, 1], strides = [1, 1]} : vector<4480x81xf32> to vector<4480x1xf32>
    %concatenate3A = tpu.concatenate %dot_general3A_10, %slice3A_42 in 1 : vector<4480x1xf32>, vector<4480x1xf32> -> vector<4480x2xf32>
    %transpose3A = tpu.transpose %concatenate3A, [1, 0] : vector<4480x2xf32> -> vector<2x4480xf32>
    %slice3A_43 = vector.extract_strided_slice %transpose3A {offsets = [0, 0], sizes = [1, 4480], strides = [1, 1]} : vector<2x4480xf32> to vector<1x4480xf32>
    %log3A = math.log %slice3A_43 : vector<1x4480xf32>
    %slice3A_44 = vector.extract_strided_slice %transpose3A {offsets = [1, 0], sizes = [1, 4480], strides = [1, 1]} : vector<2x4480xf32> to vector<1x4480xf32>
    %sub3A_45 = arith.subf %log3A, %slice3A_44 : vector<1x4480xf32>
    %max3A = arith.constant 0.000000e+00 : f32
    %max3A_46 = vector.broadcast %max3A : f32 to vector<1x4480xf32>
    %max3A_47 = arith.maximumf %sub3A_45, %max3A_46 : vector<1x4480xf32>
    %squeeze3A_48 = vector.shape_cast %max3A_47 : vector<1x4480xf32> to vector<4480xf32>
    %mul3A_49 = arith.constant 4480 : i32
    %mul3A_50 = arith.muli %arg1, %mul3A_49 : i32
    %swap3A = arith.constant 0 : index
    %swap3A_51 = arith.constant 0 : index
    %swap3A_52 = arith.index_cast %mul3A_50 : i32 to index
    %swap3A_53 = vector.load %arg4[%swap3A, %swap3A_51, %swap3A_52] : memref<1x1x8960xf32, #tpu.memory_space<vmem>>, vector<1x1x4480xf32>
    %swap3A_54 = vector.shape_cast %swap3A_53 : vector<1x1x4480xf32> to vector<4480xf32>
    %swap3A_55 = vector.shape_cast %squeeze3A_48 : vector<4480xf32> to vector<1x1x4480xf32>
    tpu.vector_store %arg4[%swap3A, %swap3A_51, %swap3A_52], %swap3A_55 {strides = array<i32>} : memref<1x1x8960xf32, #tpu.memory_space<vmem>>, vector<1x1x4480xf32>,
    %iota3A_56 = tpu.iota {dimensions = array<i32: 1>} : vector<1x128xi32>
    %eq3A_57 = arith.constant 0 : i32
    %eq3A_58 = vector.broadcast %eq3A_57 : i32 to vector<1x128xi32>
    %eq3A_59 = arith.cmpi eq, %iota3A_56, %eq3A_58 : vector<1x128xi32>
    %jit3A_60 = arith.constant 0.000000e+00 : f32
    %broadcast_in_dim3A_61 = vector.broadcast %sub3A : f32 to vector<1x128xf32>
    %broadcast_in_dim3A_62 = vector.broadcast %jit3A_60 : f32 to vector<1x128xf32>
    %select_n3A_63 = arith.select %eq3A_59, %broadcast_in_dim3A_61, %broadcast_in_dim3A_62 : vector<1x128xi1>, vector<1x128xf32>
    %squeeze3A_64 = vector.shape_cast %select_n3A_63 : vector<1x128xf32> to vector<128xf32>
    %swap3A_65 = arith.constant 0 : index
    %swap3A_66 = arith.constant 0 : index
    %swap3A_67 = arith.constant 0 : index
    %swap3A_68 = arith.constant 0 : index
    %swap3A_69 = vector.load %arg5[%swap3A_65, %swap3A_66, %swap3A_67, %swap3A_68] : memref<1x1x1x128xf32, #tpu.memory_space<vmem>>, vector<1x1x1x128xf32>
    %swap3A_70 = vector.shape_cast %swap3A_69 : vector<1x1x1x128xf32> to vector<128xf32>
    %swap3A_71 = vector.shape_cast %squeeze3A_64 : vector<128xf32> to vector<1x1x1x128xf32>
    tpu.vector_store %arg5[%swap3A_65, %swap3A_66, %swap3A_67, %swap3A_68], %swap3A_71 {strides = array<i32>} : memref<1x1x1x128xf32, #tpu.memory_space<vmem>>, vector<1x1x1x128xf32>,
    return
  }
  func.func @transform_0(%arg0: i32, %arg1: i32) -> (i32, i32, i32) {
    %c0_i32 = arith.constant 0 : i32
    %c0_i32_0 = arith.constant 0 : i32
    return %arg0, %arg1, %c0_i32 : i32, i32, i32
  }
  func.func @transform_1(%arg0: i32, %arg1: i32) -> (i32, i32, i32) {
    %c0_i32 = arith.constant 0 : i32
    %c0_i32_0 = arith.constant 0 : i32
    return %arg0, %c0_i32, %arg1 : i32, i32, i32
  }
  func.func @transform_2(%arg0: i32, %arg1: i32) -> (i32, i32, i32) {
    %c0_i32 = arith.constant 0 : i32
    %c0_i32_0 = arith.constant 0 : i32
    %c0_i32_1 = arith.constant 0 : i32
    return %arg0, %c0_i32, %c0_i32_0 : i32, i32, i32
  }
  func.func @transform_3(%arg0: i32, %arg1: i32) -> (i32, i32, i32, i32) {
    %c0_i32 = arith.constant 0 : i32
    %c0_i32_0 = arith.constant 0 : i32
    %c0_i32_1 = arith.constant 0 : i32
    return %arg0, %arg1, %c0_i32, %c0_i32_0 : i32, i32, i32, i32
  }
}

</mosaic_0001>

<sc_bundles>
// kernel: kernel.4.cloned.1.call-start
scs
__scs_entry_jumppad:
0x0: {  	(pc) =	sbr.rel $0x88, $3  }
0x1: {  	(tag) =	ssettag $0x0;
	lr =	simm.s32 $0x1  }
0x2: {  	[smem:$0x3F9D] =	sst lr;
	_ =	strace $0xD0000000  }
0x3: {  	_ = 	snop  }
0x4: {  	_ = 	snop  }
0x5: {  	_ = 	snop  }
0x6: {  	_ = 	snop  }
0x7: {  	_ = 	snop  }
__scs_overlays_trampoline_lowered:
0x8: {  	[smem:$0x3FAC] =	sst s0  }
0x9: {  	[smem:$0x3FAD] =	sst s1  }
0xa: {  	[smem:$0x3FAE] =	sst s2  }
0xb: {  	[smem:$0x3FAF] =	sst s3  }
0xc: {  	[smem:$0x3FB0] =	sst s4  }
0xd: {  	[smem:$0x3FB1] =	sst s5  }
0xe: {  	[smem:$0x3FB2] =	sst s6  }
0xf: {  	[smem:$0x3FB3] =	sst s7  }
0x10: {  	[smem:$0x3FB4] =	sst s8  }
0x11: {  	[smem:$0x3FB5] =	sst s9;
	s0 =	simm.s32 @!p0 $0x0  }
0x12: {  	s1 =	sld [smem:$0x3F9B];
	s0 =	simm.s32 @p0 $0x1  }
0x13: {  	[smem:$0x3FB6] =	sst s0;
	s0 =	simm.s32 @!p1 $0x0  }
0x14: {  	s2 =	sld [smem:$0x3F9A];
	s0 =	simm.s32 @p1 $0x1  }
0x15: {  	[smem:$0x3FB7] =	sst s0;
	s0 =	simm.s32 @!p2 $0x0  }
0x16: {  	s3 =	sld [smem:$0x3FDB];
	s0 =	simm.s32 @p2 $0x1  }
0x17: {  	s4 =	simm.s32 $0x1BF5;
	[smem:$0x3FB9] =	sst s0  }
0x18: {  	s0 =	sld [smem:$0x3F9C];
	_ =	swait.ge [sflag:s4], $0x0  }
0x19: {  	s7 =	sld [smem:$0x3F9D]  }
0x1a: {  	s8 =	sadd.s32 $0xFFFFE003, lr  }
0x1b: {  	s9 =	sadd.s32 $0xFFFFFEF7, lr;
	s5 =	simm.s32 $0xFFFFFFFF;
	p2 =	slt.u32 s8, $0xFFFFF086  }
0x1c: {  	p1 =	slt.u32 s9, $0xF7A;
	s5 =	simm.s32 @!p2 $0x0  }
0x1d: {  	s5 =	simm.s32 @p1 $0x1;
	p0 =	seq.s32 s7, s2  }
0x1e: {  	s7 =	smul.u32 @!p0 $0xF7A, s2;
	p2 =	seq.s32 @!p0 s5, $0x0  }
0x1f: {  	s9 =	smul.u32 $0xF7A, s1;
	s8 =	simm.s32 @!p0 $0x1BF5;
	p2 =	por !p2, p0  }
0x20: {  	[sflag:s8] =	ssyncset.s32 @!p0 $0xFFFFF086;
	s6 =	sadd.s32 @!p0 s3, s7;
	s7 =	simm.s32 @!p0 $0x108  }
0x21: {  	s3 =	sadd.s32 s3, s9;
	s6 =	sadd.s32 @!p0 $0x88, s6;
	s7 =	simm.s32 @p2 $0x1082  }
0x22: {  	[simem:s7], [sflag:s8] =	dma.local @!p0 [hbm:s6], $0xF7A  }
0x23: {  	s9 =	sor.u32 $0xD0000000, s2;
	s6 =	simm.s32 $0x108;
	_ =	swait.ge @!p0 [sflag:s8], $0x0  }
0x24: {  	s3 =	sadd.s32 $0x88, s3;
	s6 =	simm.s32 @!p1 $0x1082;
	[sflag:s4] =	ssyncset.s32 $0xFFFFF086  }
0x25: {  	[simem:s6], [sflag:s4] =	dma.local [hbm:s3], $0xF7A  }
0x26: {  	[smem:$0x3F9D] =	sst s1;
	(tag) =	ssettag s2;
	_ =	strace s9  }
0x27: {  	s1 =	sld [smem:$0x3FAD]  }
0x28: {  	s2 =	sld [smem:$0x3FAE]  }
0x29: {  	s4 =	sld [smem:$0x3FB0]  }
0x2a: {  	p0 =	seq.s32 s5, $0x0;
	s5 =	sld [smem:$0x3FB1]  }
0x2b: {  	s6 =	sld [smem:$0x3FB2]  }
0x2c: {  	s7 =	sld [smem:$0x3FB3]  }
0x2d: {  	s3 =	simm.s32 $0x108;
	s8 =	sld [smem:$0x3FB4]  }
0x2e: {  	s3 =	simm.s32 @!p0 $0x1082;
	s9 =	sld [smem:$0x3FB5]  }
0x2f: {  	lr =	sadd.s32 s0, s3;
	s0 =	sld [smem:$0x3FAC]  }
0x30: {  	s3 =	sld [smem:$0x3FAF]  }
0x31: {  	[smem:$0x3FB8] =	sst s10  }
0x32: {  	s10 =	sld [smem:$0x3FB6];
	_ =	sdelay $0x3  }
0x33: {  	p0 =	seq.s32 s10, $0x1;
	s10 =	sld [smem:$0x3FB8];
	_ =	sdelay $0x3  }
0x34: {  	[smem:$0x3FB8] =	sst s10  }
0x35: {  	s10 =	sld [smem:$0x3FB7];
	_ =	sdelay $0x3  }
0x36: {  	p1 =	seq.s32 s10, $0x1;
	s10 =	sld [smem:$0x3FB8];
	_ =	sdelay $0x3  }
0x37: {  	[smem:$0x3FB8] =	sst s10  }
0x38: {  	s10 =	sld [smem:$0x3FB9]  }
0x39: {  	_ = 	snop;
	(pc) =	sbr.ind lr, $3  }
0x3a: {  	_ = 	snop  }
0x3b: {  	_ = 	snop  }
0x3c: {  	p2 =	seq.s32 s10, $0x1;
	s10 =	sld [smem:$0x3FB8]  }
0x3d: {  	_ =	shalt  }
0x3e: {  	_ =	shalt  }
0x3f: {  	_ =	shalt  }
0x40: {  	_ =	shalt  }
0x41: {  	_ =	shalt  }
0x42: {  	_ =	shalt  }
0x43: {  	_ =	shalt  }
0x44: {  	_ =	shalt  }
0x45: {  	_ =	shalt  }
0x46: {  	_ =	shalt  }
0x47: {  	_ =	shalt  }
0x48: {  	_ =	shalt  }
0x49: {  	_ =	shalt  }
0x4a: {  	_ =	shalt  }
0x4b: {  	_ =	shalt  }
0x4c: {  	_ =	shalt  }
0x4d: {  	_ =	shalt  }
0x4e: {  	_ =	shalt  }
0x4f: {  	_ =	shalt  }
0x50: {  	_ =	shalt  }
0x51: {  	_ =	shalt  }
0x52: {  	_ =	shalt  }
0x53: {  	_ =	shalt  }
0x54: {  	_ =	shalt  }
0x55: {  	_ =	shalt  }
0x56: {  	_ =	shalt  }
0x57: {  	_ =	shalt  }
0x58: {  	_ =	shalt  }
0x59: {  	_ =	shalt  }
0x5a: {  	_ =	shalt  }
0x5b: {  	_ =	shalt  }
0x5c: {  	_ =	shalt  }
0x5d: {  	_ =	shalt  }
0x5e: {  	_ =	shalt  }
0x5f: {  	_ =	shalt  }
0x60: {  	_ =	shalt  }
0x61: {  	_ =	shalt  }
0x62: {  	_ =	shalt  }
0x63: {  	_ =	shalt  }
0x64: {  	_ =	shalt  }
0x65: {  	_ =	shalt  }
0x66: {  	_ =	shalt  }
0x67: {  	_ =	shalt  }
0x68: {  	_ =	shalt  }
0x69: {  	_ =	shalt  }
0x6a: {  	_ =	shalt  }
0x6b: {  	_ =	shalt  }
0x6c: {  	_ =	shalt  }
0x6d: {  	_ =	shalt  }
0x6e: {  	_ =	shalt  }
0x6f: {  	_ =	shalt  }
0x70: {  	_ =	shalt  }
0x71: {  	_ =	shalt  }
0x72: {  	_ =	shalt  }
0x73: {  	_ =	shalt  }
0x74: {  	_ =	shalt  }
0x75: {  	_ =	shalt  }
0x76: {  	_ =	shalt  }
0x77: {  	_ =	shalt  }
0x78: {  	_ =	shalt  }
0x79: {  	_ =	shalt  }
0x7a: {  	_ =	shalt  }
0x7b: {  	_ =	shalt  }
0x7c: {  	_ =	shalt  }
0x7d: {  	_ =	shalt  }
0x7e: {  	_ =	shalt  }
0x7f: {  	_ =	shalt  }
0x80: {  	_ =	shalt  }
0x81: {  	_ =	shalt  }
0x82: {  	_ =	shalt  }
0x83: {  	_ =	shalt  }
0x84: {  	_ =	shalt  }
0x85: {  	_ =	shalt  }
0x86: {  	_ =	shalt  }
0x87: {  	_ =	shalt  }
.Lfunc_end0:
.L_simem_size_0:
called_computation_lowered:
.L_overlay_start_0:
0x88: {  	s2 =	sld [smem:$0x3FD9]  }
0x89: {  	s3 =	sld [smem:$0x3FFE];
	_ =	sdelay $0x1  }
0x8a: {  	s1 =	srdreg.scid  }
0x8b: {  	s0 =	sand.u32 $0x1, s1  }
0x8c: {  	s16 =	sshll.u32 s0, $0xA;
	s2 =	sadd.s32 s3, s2  }
0x8d: {  	s2 =	sadd.s32 s2, s16  }
0x8e: {  	[smem:$0x3FC4] =	sst s2  }
0x8f: {  	_ = 	snop  }
0x90: {  	(tm) =	ssettm $0x1  }
0x91: {  	s17 =	sld [smem:$0x3FFB];
	_ =	sdelay $0x3  }
0x92: {  	_ =	strace s17  }
0x93: {  	s2 =	sld [smem:$0x3FFC];
	_ =	sdelay $0x3  }
0x94: {  	_ =	strace s2  }
0x95: {  	s2 =	sld [smem:$0x3FFD];
	_ =	sdelay $0x3  }
0x96: {  	_ =	strace s2  }
0x97: {  	_ =	strace $0x8FFFFFFF  }
0x98: {  	s18 =	sld [smem:$0x3FDB];
	_ =	sdelay $0x1  }
0x99: {  	s19 =	simm.s32 $_scs_section_size  }
0x9a: {  	s4 =	simm.s32 $_size__tile_overlayer_lowered;
	s5 =	simm.s32 $_tile_overlayer_lowered  }
0x9b: {  	s22 =	simm.s32 $0x1BFF;
	s21 =	sshll.u32 s5, $0x1;
	s2 =	sadd.s32 s19, s18  }
0x9c: {  	s6 =	simm.s32 $0x0;
	s20 =	sshll.u32 s4, $0x1;
	s4 =	sadd.s32 s21, s2  }
0x9d: {  	[timem:s6], [sflag:s22] =	dma.local [hbm:s4], s20  }
0x9e: {  	_ =	swait.ge [sflag:s22], s20  }
0x9f: {  	s3 =	ssub.s32 $0x0, s20;
	[sflag:s22] =	ssyncset.done $0x0  }
0xa0: {  	[sflag:s22] =	ssyncadd.s32 s3;
	_ =	sdelay $0x1  }
0xa1: {  	s23 =	simm.s32 $0x1B8B  }
0xa2: {  	_ =	swait.ge [sflag:s23], $0x1  }
0xa3: {  	[sflag:s23] =	ssyncset.done $0x0  }
0xa4: {  	s25 =	simm.s32 $0x1B8E;
	s24 =	sld [smem:$0x3FFE];
	[sflag:s23] =	ssyncadd.s32 $0xFFFFFFFF  }
0xa5: {  	s26 =	simm.s32 $execute0_lowered;
	[smem:$0x3FD2] =	sst s25  }
0xa6: {  	s4 =	sshll.u32 s26, $0x1;
	_ =	strace $0x80000046;
	[dreg:$0x1] =	wrdreg $0xFFFFFFFF  }
0xa7: {  	s28 =	simm.s32 $_size_execute0_lowered;
	s2 =	sadd.s32 s2, s4;
	[dreg:$0x0] =	wrdreg $0x0  }
0xa8: {  	s4 =	sshll.u32 s28, $0x1;
	[dreg:$0x2] =	wrdreg s2  }
0xa9: {  	[dreg:$0x3] =	wrdreg s4  }
0xaa: {  	[dreg:$0x4] =	wrdreg $0xC0  }
0xab: {  	_ =	task [dreg:s6], $0x5FFFF  }
0xac: {  	[dreg:$0x1] =	wrdreg $0xFFFFFFFF  }
0xad: {  	[dreg:$0x0] =	wrdreg $0x60  }
0xae: {  	[dreg:$0x2] =	wrdreg s24  }
0xaf: {  	[dreg:$0x3] =	wrdreg $0x9  }
0xb0: {  	_ =	task.clear_ibuf [dreg:s6], $0x4FFFF;
	_ =	strace $0x90000046  }
0xb1: {  	s29 =	simm.s32 $0x9;
	_ =	strace $0x80000048  }
0xb2: {  	_ =	swait.ge [sflag:s29], $0x1  }
0xb3: {  	[sflag:s29] =	ssyncadd.s32 $0xFFFFFFFF  }
0xb4: {  	_ =	strace $0x90000048  }
0xb5: {  	_ =	sfence  }
0xb6: {  	s30 =	sld [smem:$0x0];
	_ =	sdelay $0x2  }
0xb7: {  	s31 =	sshll.u32 s1, $0xD;
	s1 =	sshrl.u32 s1, $0x2  }
0xb8: {  	s3 =	sand.u32 $0x4000, s31;
	s1 =	sadd.s32 s1, s30  }
0xb9: {  	s0 =	sor.u32 s3, s0;
	s1 =	sshll.u32 s1, $0x11  }
0xba: {  	s0 =	sor.u32 s1, s0  }
0xbb: {  	s0 =	sadd.s32 $0x8F2B, s0  }
0xbc: {  	[sflag:s0] =	ssyncadd.remote.s32 $0x1  }
0xbd: {  	_ =	sfence.sel $0xFFFF  }
0xbe: {  	[dreg:$0x0] =	wrdreg $0xFFFFFFFF;
	(pc) =	sbr.abs _section_cstart, $3  }
0xbf: {  	[dreg:$0x1] =	wrdreg $0xFFFFFFFF  }
0xc0: {  	_ =	task.clear_ibuf [dreg:s6], $0x2FFFF;
	_ =	strace $0x9FFFFFFF  }
0xc1: {  	(tm) =	ssettm $0x7FFFFFFF  }
tec
execute0_lowered:
.L_overlay_start_1:
0x0: {  	(tag) =	ssettag $0x1  }
0x1: {  	s0 =	srdreg.scid  }
0x2: {  	s2 =	stileid.u32;
	s5 =	rddreg [dreg:$0x0]  }
0x3: {  	s17 =	simm.s32 $0x0;
	s9 =	simm.s32 $0x80;
	s10 =	simm.s32 $0x400  }
0x4: {  	s11 =	simm.s32 $0x1;
	s12 =	simm.s32 $0x2300;
	s23 =	simm.s32 $0xCE80  }
0x5: {  	s15 =	simm.s32 $0x15700;
	s16 =	simm.s32 $0x15F00;
	s24 =	simm.s32 $0x16700  }
0x6: {  	s18 =	simm.s32 $0x0;
	s0 =	sand.u32 $0x1, s0;
	s1 =	sshrl.u32 s2, $0x2  }
0x7: {  	s2 =	sshll.u32 s2, $0x8;
	[smem:$0x7FF] =	sst s17;
	s4 =	smul.u32 $0x44400, s1  }
0x8: {  	s3 =	sshll.u32 s0, $0x7;
	s2 =	sand.u32 $0x300, s2;
	s6 =	smul.u32 $0x11800, s1  }
0x9: {  	_ =	strace $0x80000047;
	s0 =	ssub.s32 $0x2, s0;
	s3 =	sor.u32 s3, s2  }
0xa: {  	s1 =	sshll.u32 s1, $0xA;
	s31 =	sshrl.u32 s0, $0x1;
	s4 =	sor.u32 s4, s3  }
0xb: {  	s1 =	sor.u32 s1, s3;
	s3 =	sor.u32 s6, s3;
	s0 =	ssub.s32 s0, s31  }
0xc: {  	v0 =	vlaneseq.u32;
	s6 =	simm.s32 $0x4600;
	s4 =	sshrl.u32 s4, $0x3;
	s3 =	sshrl.u32 s3, $0x3  }
0xd: {  	v4 =	vmul.u32 $0xFFFFFFFF, v0;
	s1 =	sshrl.u32 s1, $0x3;
	s7 =	sadd.s32 s4, s5;
	s21 =	sadd.s32 s5, s3  }
0xe: {  	v1 =	vimm.s32 $0x0;
	v2 =	vimm.f32 $0.0e+00;
	v3 =	vimm.s32 $0x1;
	s1 =	sadd.s32 s1, s5;
	s3 =	smax.u32 s0, $0x1;
	s4 =	sadd.s32 $0x4D000, s21  }
0xf: {  	vm0 =	vcmask $0xB08;
	v5 =	vor.u32 $0x80000000, v0;
	v4 =	vadd.s32 $0xF, v4;
	s5 =	sadd.s32 $0x8C00, s7;
	s7 =	sadd.s32 $0x2AE00, s7;
	s8 =	sadd.s32 $0x55C00, s1  }
.LBB2_1:
0x10: {  	[tilespmem:s17], [sflag:$0x1] =	stream.strided.gather [hbm4b:s21+s9], $0x2300, s10, s9, $0x38;
	[tilespmem:$0x16780] =	vst v63  }
0x11: {  	_ =	swait.ge [sflag:s11], $0x2300  }
0x12: {  	[sflag:s11] =	ssyncset.done $0x0  }
0x13: {  	[sflag:s11] =	ssyncadd.s32 $0xFFFFDD00  }
0x14: {  	[tilespmem:s12], [sflag:$0x1] =	stream.strided.gather [hbm4b:s4+s9], $0x2300, s10, s9, $0x38;
	[tilespmem:$0x16780] =	vst v63  }
0x15: {  	_ =	swait.ge [sflag:s11], $0x2300  }
0x16: {  	[sflag:s11] =	ssyncset.done $0x0  }
0x17: {  	[sflag:s11] =	ssyncadd.s32 $0xFFFFDD00  }
0x18: {  	[tilespmem:s6], [sflag:$0x1] =	stream.strided.gather [hbm4b:s5+s9], $0x8880, s10, s9, $0x38;
	[tilespmem:$0x16780] =	vst v63  }
0x19: {  	_ =	swait.ge [sflag:s11], $0x8880  }
0x1a: {  	[sflag:s11] =	ssyncset.done $0x0  }
0x1b: {  	[sflag:s11] =	ssyncadd.s32 $0xFFFF7780  }
0x1c: {  	[tilespmem:s23], [sflag:$0x1] =	stream.strided.gather [hbm4b:s7+s9], $0x8880, s10, s9, $0x38;
	[tilespmem:$0x16780] =	vst v63  }
0x1d: {  	_ =	swait.ge [sflag:s11], $0x8880  }
0x1e: {  	[sflag:s11] =	ssyncset.done $0x0  }
0x1f: {  	s1 =	simm.s32 $0x0;
	[sflag:s11] =	ssyncadd.s32 $0xFFFF7780  }
0x20: {  	v7 =	vimm.s32 $0x0;
	v10 =	vld [tilespmem:s1+$0x2300]  }
0x21: {  	s0 =	simm.s32 $0x40;
	v8 =	vimm.f32 $0.0e+00;
	v9 =	vimm.f32 $0.0e+00;
	v6 =	vimm.s32 $0x0;
	v11 =	vld [tilespmem:s1+$0x0]  }
.LBB2_2:
0x22: {  	_ = 	snop  }
0x23: {  	p0 =	sne.s32 s0, $0x8BC0  }
.Ltmp0:
0x24: {  	_ = 	snop;
	(pc) =	sbr.rel @p0 .LBB2_2-.Ltmp0, $4  }
0x25: {  	vm1 =	vgt.s32 v10, $0x0  }
0x26: {  	s1 =	sshra.s32 s0, $0x2;
	vm2 =	veq.s32 v10, $0x0;
	v12 =	vsel vm1, $0x1, v1;
	v13 =	vnsel vm1, $0x0, v11  }
0x27: {  	v10 =	vld [tilespmem:s1+$0x2300];
	v14 =	vnsel vm2, $0x0, v11;
	v63 =	vsel vm2, $0x1, v1;
	v7 =	vadd.s32 v12, v7  }
0x28: {  	s0 =	sadd.s32 $0x40, s0;
	v11 =	vld [tilespmem:s1+$0x0];
	v8 =	vadd.f32 v14, v8;
	v9 =	vadd.f32 v13, v9;
	v6 =	vadd.s32 v63, v6  }
0x29: {  	_ =	sdelay $0x2  }
0x2a: {  	vm1 =	vgt.s32 v10, $0x0  }
0x2b: {  	v62 =	vsel vm1, $0x1, v1  }
0x2c: {  	vm2 =	veq.s32 v10, $0x0;
	v7 =	vadd.s32 v62, v7  }
0x2d: {  	v12 =	vnsel vm1, $0x0, v11;
	(xrf0) =	vadd.scan.msk.s32 $0xffff, v7;
	v7 =	vsel vm2, $0x1, v1  }
0x2e: {  	v63 =	vnsel vm2, $0x0, v11;
	v9 =	vadd.f32 v12, v9;
	v6 =	vadd.s32 v7, v6  }
0x2f: {  	v8 =	vadd.f32 v63, v8;
	(xrf0) =	vadd.scan.msk.s32 $0xffff, v6  }
0x30: {  	(xrf2) =	vadd.scan.msk.f32 $0xffff, v9  }
0x31: {  	(xrf2) =	vadd.scan.msk.f32 $0xffff, v8;
	_ =	sdelay $0x1  }
0x32: {  	v6, _, _ =	vpop (xrf0)  }
0x33: {  	(v2sf) =	vpush v6, $0xF  }
0x34: {  	v6, _, _ =	vpop (xrf0)  }
0x35: {  	(v2sf) =	vpush v6, $0xF;
	_ =	sdelay $0x3  }
0x36: {  	v7, _, _ =	vpop (xrf2)  }
0x37: {  	(v2sf) =	vpush v7, $0xF;
	v6, _, _ =	vpop (xrf2)  }
0x38: {  	(v2sf) =	vpush v6, $0xF;
	_ =	sdelay $0x6  }
0x39: {  	s19 =	spop (v2sf)  }
0x3a: {  	s22 =	smul.u32 $0x3, s19  }
0x3b: {  	s0 =	spop (v2sf)  }
0x3c: {  	p0 =	sge.s32 s22, s0  }
.Ltmp1:
0x3d: {  	_ = 	snop;
	(pc) =	sbr.rel @p0 .LBB2_23-.Ltmp1, $3  }
0x3e: {  	_ =	sdelay $0x1  }
0x3f: {  	s20 =	spop (v2sf)  }
0x40: {  	s13 =	simm.s32 $0x0;
	s0 =	spop (v2sf)  }
0x41: {  	s0 =	simm.s32 $0x40;
	s1 =	simm.s32 $0x0  }
.LBB2_5:
0x42: {  	p0 =	seq.s32 s0, $0x1FC0;
	[tilespmem:s1+$0x15700] =	vst v1;
	s13 =	smov.u32 s0;
	s0 =	sadd.s32 $0x40, s0  }
.Ltmp2:
0x43: {  	[tilespmem:s1+$0x15F00] =	vst v2;
	(pc) =	sbr.rel @!p0 .LBB2_5-.Ltmp2, $2  }
0x44: {  	_ =	sdelay $0x2  }
0x45: {  	s1 =	sshra.s32 s13, $0x2  }
0x46: {  	[tilespmem:s1+$0x15700] =	vst v1  }
0x47: {  	[tilespmem:s1+$0x15F00] =	vst v2;
	s0 =	simm.s32 $0x0  }
0x48: {  	v7 =	vld [tilespmem:s0+$0x2300]  }
0x49: {  	v6 =	vld [tilespmem:s0+$0x0];
	s0 =	simm.s32 $0x40  }
.LBB2_7:
0x4a: {  	p0 =	seq.s32 s0, $0x8BC0;
	_ =	sdelay $0x3  }
0x4b: {  	vm1 =	veq.s32 v7, $0x0;
	vm2 =	vgt.s32 v6, $0xFFFFFFFF  }
0x4c: {  	v7 =	vshrl.u32 v6, $0x14;
	vm1 =	vmand vm1, vm2  }
0x4d: {  	v7 =	vand.u32 $0x7FF, v7;
	_ =	sdelay $0x3  }
.Ltmp3:
0x4e: {  	(pc) =	sbr.rel @!p0 .LBB2_7-.Ltmp3, $4  }
0x4f: {  	[tilespmem:v7+s15+$0x0] =	vst.idx.add.s32.msk vm1, v3  }
0x50: {  	s1 =	sshra.s32 s0, $0x2;
	[tilespmem:v7+s16+$0x0] =	vst.idx.add.f32.msk vm1, v6  }
0x51: {  	v7 =	vld [tilespmem:s1+$0x2300]  }
0x52: {  	s0 =	sadd.s32 $0x40, s0;
	v6 =	vld [tilespmem:s1+$0x0]  }
0x53: {  	_ =	sdelay $0x3  }
0x54: {  	vm1 =	veq.s32 v7, $0x0;
	vm2 =	vgt.s32 v6, $0xFFFFFFFF  }
0x55: {  	v7 =	vshrl.u32 v6, $0x14;
	vm1 =	vmand vm1, vm2  }
0x56: {  	v7 =	vand.u32 $0x7FF, v7;
	_ =	sdelay $0x4  }
0x57: {  	[tilespmem:v7+s15+$0x0] =	vst.idx.add.s32.msk vm1, v3  }
0x58: {  	s13 =	simm.s32 $0x15EF0;
	[tilespmem:v7+s16+$0x0] =	vst.idx.add.f32.msk vm1, v6  }
0x59: {  	v7 =	vld [tilespmem:s13+$0x0];
	_ =	sdelay $0x4  }
0x5a: {  	v8 =	vperm.xlane v7, v4;
	_ =	sdelay $0x1  }
0x5b: {  	(xrf0) =	vadd.scan.msk.s32 $0xffff, v8;
	_ =	sdelay $0x5  }
0x5c: {  	s23 =	simm.s32 $0x0;
	v9, _, _ =	vpop (xrf0)  }
0x5d: {  	v6 =	vmov s22;
	v10 =	vadd.s32 s23, v9  }
0x5e: {  	vm1 =	vlt.s32 v10, v6  }
0x5f: {  	v10 =	vsel vm1, $0x80000010, v5  }
0x60: {  	(xrf0) =	vmin.scan.msk.u32 $0xffff, v10;
	_ =	sdelay $0x5  }
0x61: {  	v10, _, _ =	vpop (xrf0)  }
0x62: {  	(v2sf) =	vpush v10, $0xF;
	_ =	sdelay $0xe  }
0x63: {  	s14 =	spop (v2sf)  }
0x64: {  	s17 =	sxor.u32 $0x80000000, s14  }
0x65: {  	v56 =	vmov s17  }
0x66: {  	vm1 =	veq.s32 v56, v0  }
0x67: {  	(xrf0) =	vadd.scan.msk.s32 $0xffff, v7;
	v7 =	vnsel vm1, $0x0, v9  }
0x68: {  	v8 =	vnsel vm1, $0x0, v8;
	(xrf0) =	vadd.scan.msk.s32 $0xffff, v7  }
0x69: {  	(xrf0) =	vadd.scan.msk.s32 $0xffff, v8;
	_ =	sdelay $0x1  }
0x6a: {  	s1 =	simm.s32 $0x166F0  }
0x6b: {  	v7 =	vld [tilespmem:s1+$0x0]  }
0x6c: {  	v8, _, _ =	vpop (xrf0)  }
0x6d: {  	(v2sf) =	vpush v8, $0xF;
	v57, _, _ =	vpop (xrf0)  }
0x6e: {  	(v2sf) =	vpush v57, $0xF;
	v8, _, _ =	vpop (xrf0)  }
0x6f: {  	(v2sf) =	vpush v8, $0xF  }
0x70: {  	v8 =	vperm.xlane v7, v4;
	_ =	sdelay $0x1  }
0x71: {  	(xrf2) =	vadd.scan.msk.f32 $0xffff, v8  }
0x72: {  	s25 =	simm.s32 $0x15EE0  }
0x73: {  	v58 =	vld [tilespmem:s25+$0x0];
	_ =	sdelay $0x4  }
0x74: {  	v59 =	vperm.xlane v58, v4;
	_ =	sdelay $0x1  }
0x75: {  	(xrf0) =	vadd.scan.msk.s32 $0xffff, v59  }
0x76: {  	s30 =	spop (v2sf);
	v11, _, _ =	vpop (xrf2)  }
0x77: {  	(xrf2) =	vadd.scan.msk.f32 $0xffff, v7;
	v11 =	vnsel vm1, $0x0, v11;
	s24 =	spop (v2sf)  }
0x78: {  	v7 =	vnsel vm1, $0x0, v8;
	(xrf2) =	vadd.scan.msk.f32 $0xffff, v11;
	s24 =	sadd.s32 $0x0, s24;
	s26 =	spop (v2sf)  }
0x79: {  	p1 =	slt.s32 s17, $0x10;
	s1 =	sadd.s32 $0x0, s30;
	s13 =	ssub.s32 s24, s26  }
0x7a: {  	p0 =	por $0x0, $0x0;
	(xrf2) =	vadd.scan.msk.f32 $0xffff, v7;
	s1 =	smov.u32 @p1 s13  }
0x7b: {  	v7, _, _ =	vpop (xrf0);
	s1 =	smov.u32 @p0 s23  }
0x7c: {  	v8 =	vadd.s32 s1, v7  }
0x7d: {  	vm1 =	vlt.s32 v8, v6  }
0x7e: {  	v8 =	vsel vm1, $0x80000010, v5  }
0x7f: {  	(xrf0) =	vmin.scan.msk.u32 $0xffff, v8;
	_ =	sdelay $0x1  }
0x80: {  	v8, _, _ =	vpop (xrf2)  }
0x81: {  	v11, _, _ =	vpop (xrf2)  }
0x82: {  	(v2sf) =	vpush v11, $0xF  }
0x83: {  	v60, _, _ =	vpop (xrf2);
	(v2sf) =	vpush v8, $0xF  }
0x84: {  	(v2sf) =	vpush v60, $0xF;
	v8, _, _ =	vpop (xrf0)  }
0x85: {  	(v2sf) =	vpush v8, $0xF;
	_ =	sdelay $0x3  }
0x86: {  	s26 =	simm.s32 $0x166E0  }
0x87: {  	v8 =	vld [tilespmem:s26+$0x0];
	_ =	sdelay $0x4  }
0x88: {  	v61 =	vperm.xlane v8, v4;
	_ =	sdelay $0x1  }
0x89: {  	(xrf2) =	vadd.scan.msk.f32 $0xffff, v61;
	s31 =	spop (v2sf)  }
0x8a: {  	s28 =	spop (v2sf)  }
0x8b: {  	s29 =	spop (v2sf)  }
0x8c: {  	s30 =	spop (v2sf)  }
0x8d: {  	s13 =	sxor.u32 $0x80000000, s30  }
0x8e: {  	v12 =	vmov s13  }
0x8f: {  	vm1 =	veq.s32 v12, v0  }
0x90: {  	(xrf0) =	vadd.scan.msk.s32 $0xffff, v58;
	v7 =	vnsel vm1, $0x0, v7  }
0x91: {  	(xrf2) =	vadd.scan.msk.f32 $0xffff, v8  }
0x92: {  	v62 =	vnsel vm1, $0x0, v59;
	(xrf0) =	vadd.scan.msk.s32 $0xffff, v7  }
0x93: {  	s0 =	simm.f32 $0.0e+00;
	(xrf0) =	vadd.scan.msk.s32 $0xffff, v62;
	v7, _, _ =	vpop (xrf2)  }
0x94: {  	s24 =	sadd.f32 s31, s0;
	v7 =	vnsel vm1, $0x0, v7  }
0x95: {  	s28 =	sadd.f32 s28, s0;
	(xrf2) =	vadd.scan.msk.f32 $0xffff, v7  }
0x96: {  	s14 =	ssub.s32 $0x800007FF, s14;
	s29 =	ssub.f32 s24, s29;
	s24 =	simm.s32 $0x0  }
0x97: {  	v8, _, _ =	vpop (xrf0);
	s24 =	smov.u32 @p1 s14;
	p1 =	por p1, p1;
	v63 =	vnsel vm1, $0x0, v61  }
0x98: {  	(v2sf) =	vpush v8, $0xF;
	s24 =	smov.u32 @p0 s23;
	s28 =	smov.u32 @p1 s29;
	s23 =	simm.s32 $0x800007DF;
	(xrf2) =	vadd.scan.msk.f32 $0xffff, v63;
	v7, _, _ =	vpop (xrf0)  }
0x99: {  	s29 =	simm.s32 $0x800007CF;
	s28 =	smov.u32 @p0 s0;
	s0 =	ssub.s32 $0x800007EF, s30;
	(v2sf) =	vpush v7, $0xF;
	v7, _, _ =	vpop (xrf0)  }
.LBB2_9:
0x9a: {  	s14 =	smov.u32 s28;
	s28 =	smov.u32 s24;
	s30 =	smov.u32 s1  }
0x9b: {  	p2 =	seq.s32 s29, $0x8000000F;
	(v2sf) =	vpush v7, $0xF  }
0x9c: {  	v7, _, _ =	vpop (xrf2);
	_ =	sdelay $0x2  }
0x9d: {  	s25 =	sadd.s32 $0xFFFFFFF0, s25;
	v8, _, _ =	vpop (xrf2)  }
0x9e: {  	v9 =	vld [tilespmem:s25+$0x0];
	(v2sf) =	vpush v8, $0xF;
	_ =	sdelay $0x1  }
0x9f: {  	v8, _, _ =	vpop (xrf2);
	(v2sf) =	vpush v7, $0xF  }
0xa0: {  	(v2sf) =	vpush v8, $0xF;
	_ =	sdelay $0x1  }
0xa1: {  	v7 =	vperm.xlane v9, v4;
	_ =	sdelay $0x1  }
0xa2: {  	(xrf0) =	vadd.scan.msk.s32 $0xffff, v7  }
0xa3: {  	s1 =	spop (v2sf)  }
0xa4: {  	s31 =	spop (v2sf)  }
0xa5: {  	s31 =	sadd.s32 s30, s31;
	s17 =	spop (v2sf)  }
0xa6: {  	p3 =	slt.s32 s13, $0x10;
	s1 =	sadd.s32 s30, s1;
	s13 =	ssub.s32 s31, s17  }
0xa7: {  	p0 =	por p0, p1;
	s24 =	smov.u32 @p3 s0;
	s1 =	smov.u32 @p3 s13  }
0xa8: {  	p1 =	por p3, p3;
	s24 =	smov.u32 @p0 s28;
	v8, _, _ =	vpop (xrf0);
	s1 =	smov.u32 @p0 s30  }
0xa9: {  	v10 =	vadd.s32 s1, v8  }
0xaa: {  	vm1 =	vlt.s32 v10, v6;
	s0 =	spop (v2sf)  }
0xab: {  	v10 =	vsel vm1, $0x80000010, v5;
	s0 =	sadd.f32 s0, s14  }
0xac: {  	(xrf0) =	vmin.scan.msk.u32 $0xffff, v10;
	s13 =	spop (v2sf)  }
0xad: {  	s28 =	sadd.f32 s13, s14;
	s13 =	spop (v2sf)  }
0xae: {  	s0 =	ssub.f32 s0, s13;
	_ =	sdelay $0x1  }
0xaf: {  	s28 =	smov.u32 @p1 s0  }
0xb0: {  	s28 =	smov.u32 @p0 s14  }
0xb1: {  	v10, _, _ =	vpop (xrf0)  }
0xb2: {  	s26 =	sadd.s32 $0xFFFFFFF0, s26;
	(v2sf) =	vpush v10, $0xF  }
0xb3: {  	v10 =	vld [tilespmem:s26+$0x0];
	_ =	sdelay $0x4  }
0xb4: {  	v11 =	vperm.xlane v10, v4;
	_ =	sdelay $0x1  }
0xb5: {  	(xrf2) =	vadd.scan.msk.f32 $0xffff, v11;
	_ =	sdelay $0x6  }
0xb6: {  	s0 =	spop (v2sf)  }
0xb7: {  	s13 =	sxor.u32 $0x80000000, s0;
	s0 =	ssub.s32 s23, s0;
	s23 =	smov.u32 s29  }
0xb8: {  	v13 =	vmov s13  }
0xb9: {  	vm1 =	veq.s32 v13, v0;
	v12, _, _ =	vpop (xrf2);
	(xrf0) =	vadd.scan.msk.s32 $0xffff, v9  }
0xba: {  	v8 =	vnsel vm1, $0x0, v8;
	v9 =	vnsel vm1, $0x0, v12;
	v11 =	vnsel vm1, $0x0, v11;
	(xrf2) =	vadd.scan.msk.f32 $0xffff, v10  }
0xbb: {  	v7 =	vnsel vm1, $0x0, v7;
	(xrf0) =	vadd.scan.msk.s32 $0xffff, v8  }
0xbc: {  	(xrf0) =	vadd.scan.msk.s32 $0xffff, v7  }
0xbd: {  	(xrf2) =	vadd.scan.msk.f32 $0xffff, v9  }
.Ltmp4:
0xbe: {  	(pc) =	sbr.rel @!p2 .LBB2_9-.Ltmp4, $4  }
0xbf: {  	v7, _, _ =	vpop (xrf0)  }
0xc0: {  	(xrf2) =	vadd.scan.msk.f32 $0xffff, v11  }
0xc1: {  	v8, _, _ =	vpop (xrf0);
	(v2sf) =	vpush v7, $0xF  }
0xc2: {  	s29 =	sadd.s32 $0xFFFFFFF0, s29;
	(v2sf) =	vpush v8, $0xF;
	v7, _, _ =	vpop (xrf0)  }
0xc3: {  	(v2sf) =	vpush v7, $0xF;
	_ =	sdelay $0x3  }
0xc4: {  	s14 =	sadd.s32 $0xFFFFFFF0, s25  }
0xc5: {  	v7 =	vld [tilespmem:s14+$0x0];
	_ =	sdelay $0x4  }
0xc6: {  	v8 =	vperm.xlane v7, v4;
	_ =	sdelay $0x1  }
0xc7: {  	(xrf0) =	vadd.scan.msk.s32 $0xffff, v8  }
0xc8: {  	s31 =	spop (v2sf)  }
0xc9: {  	s17 =	spop (v2sf)  }
0xca: {  	s17 =	sadd.s32 s1, s17;
	s2 =	spop (v2sf)  }
0xcb: {  	p2 =	slt.s32 s13, $0x10;
	s25 =	sadd.s32 s1, s31;
	s13 =	ssub.s32 s17, s2  }
0xcc: {  	p0 =	por p0, p1;
	s25 =	smov.u32 @p2 s13  }
0xcd: {  	v9, _, _ =	vpop (xrf0);
	s25 =	smov.u32 @p0 s1  }
0xce: {  	v10 =	vadd.s32 s25, v9  }
0xcf: {  	vm1 =	vlt.s32 v10, v6  }
0xd0: {  	v10 =	vsel vm1, $0x80000010, v5  }
0xd1: {  	(xrf0) =	vmin.scan.msk.u32 $0xffff, v10;
	_ =	sdelay $0x1  }
0xd2: {  	v59, _, _ =	vpop (xrf2)  }
0xd3: {  	v11, _, _ =	vpop (xrf2)  }
0xd4: {  	(v2sf) =	vpush v11, $0xF  }
0xd5: {  	v60, _, _ =	vpop (xrf2);
	(v2sf) =	vpush v59, $0xF  }
0xd6: {  	(v2sf) =	vpush v60, $0xF;
	v61, _, _ =	vpop (xrf0)  }
0xd7: {  	(v2sf) =	vpush v61, $0xF  }
0xd8: {  	s6 =	sadd.s32 $0xFFFFFFF0, s26  }
0xd9: {  	v62 =	vld [tilespmem:s6+$0x0];
	_ =	sdelay $0x4  }
0xda: {  	v63 =	vperm.xlane v62, v4;
	_ =	sdelay $0x1  }
0xdb: {  	(xrf2) =	vadd.scan.msk.f32 $0xffff, v63;
	_ =	sdelay $0x2  }
0xdc: {  	s13 =	spop (v2sf)  }
0xdd: {  	s14 =	spop (v2sf)  }
0xde: {  	s26 =	spop (v2sf)  }
0xdf: {  	s17 =	spop (v2sf)  }
0xe0: {  	s2 =	sxor.u32 $0x80000000, s17  }
0xe1: {  	v12 =	vmov s2  }
0xe2: {  	(xrf2) =	vadd.scan.msk.f32 $0xffff, v62;
	vm1 =	veq.s32 v12, v0  }
0xe3: {  	(xrf0) =	vadd.scan.msk.s32 $0xffff, v7;
	v7, _, _ =	vpop (xrf2);
	v9 =	vnsel vm1, $0x0, v9  }
0xe4: {  	v7 =	vnsel vm1, $0x0, v7;
	(xrf0) =	vadd.scan.msk.s32 $0xffff, v9  }
0xe5: {  	v8 =	vnsel vm1, $0x0, v8;
	(xrf2) =	vadd.scan.msk.f32 $0xffff, v7  }
0xe6: {  	v7 =	vnsel vm1, $0x0, v63;
	(xrf0) =	vadd.scan.msk.s32 $0xffff, v8  }
0xe7: {  	(xrf2) =	vadd.scan.msk.f32 $0xffff, v7;
	_ =	sdelay $0x3  }
0xe8: {  	v7, _, _ =	vpop (xrf0)  }
0xe9: {  	v8, _, _ =	vpop (xrf0)  }
0xea: {  	(v2sf) =	vpush v7, $0xF;
	v7, _, _ =	vpop (xrf0)  }
0xeb: {  	(v2sf) =	vpush v8, $0xF;
	v8, _, _ =	vpop (xrf2)  }
0xec: {  	(v2sf) =	vpush v7, $0xF;
	v7, _, _ =	vpop (xrf2)  }
0xed: {  	(v2sf) =	vpush v7, $0xF  }
0xee: {  	v7, _, _ =	vpop (xrf2);
	(v2sf) =	vpush v8, $0xF  }
0xef: {  	(v2sf) =	vpush v7, $0xF;
	_ =	sdelay $0x6  }
0xf0: {  	s1 =	sadd.f32 s13, s28  }
0xf1: {  	s29 =	smov.u32 s24;
	s31 =	sadd.f32 s14, s28  }
0xf2: {  	s29 =	smov.u32 @p2 s0;
	s0 =	ssub.f32 s1, s26  }
0xf3: {  	p1 =	por p2, p2;
	s6 =	spop (v2sf)  }
0xf4: {  	s29 =	smov.u32 @p0 s24;
	s31 =	smov.u32 @p1 s0;
	s13 =	spop (v2sf)  }
0xf5: {  	s31 =	smov.u32 @p0 s28;
	s17 =	ssub.s32 s23, s17;
	s14 =	spop (v2sf)  }
0xf6: {  	p2 =	slt.s32 s2, $0x10;
	s0 =	sadd.s32 s25, s13;
	s24 =	spop (v2sf)  }
0xf7: {  	s0 =	ssub.s32 s0, s14;
	s14 =	sadd.f32 s24, s31;
	s26 =	spop (v2sf)  }
0xf8: {  	s13 =	sadd.s32 s25, s6;
	s30 =	sadd.f32 s26, s31;
	s28 =	spop (v2sf)  }
0xf9: {  	s23 =	smov.u32 s29;
	s13 =	smov.u32 @p2 s0;
	s0 =	ssub.f32 s14, s28  }
0xfa: {  	p0 =	por p0, p1;
	s23 =	smov.u32 @p2 s17;
	p1 =	por p2, p2  }
0xfb: {  	s1 =	simm.s32 $0x0;
	s23 =	smov.u32 @p0 s29;
	s30 =	smov.u32 @p1 s0  }
0xfc: {  	s13 =	smov.u32 @p0 s25;
	s0 =	simm.s32 $0x40;
	s30 =	smov.u32 @p0 s31  }
.LBB2_11:
0xfd: {  	p0 =	seq.s32 s0, $0xFC0;
	[tilespmem:s1+$0x15700] =	vst v1;
	s14 =	smov.u32 s0;
	s0 =	sadd.s32 $0x40, s0  }
.Ltmp5:
0xfe: {  	[tilespmem:s1+$0x15F00] =	vst v2;
	(pc) =	sbr.rel @!p0 .LBB2_11-.Ltmp5, $2  }
0xff: {  	_ =	sdelay $0x2  }
0x100: {  	s1 =	sshra.s32 s14, $0x2  }
0x101: {  	[tilespmem:s1+$0x15700] =	vst v1  }
0x102: {  	[tilespmem:s1+$0x15F00] =	vst v2;
	v7 =	vmov s23;
	s0 =	simm.s32 $0x0;
	s1 =	simm.s32 $0x0  }
.LBB2_13:
0x103: {  	s14 =	sshra.s32 s1, $0x2  }
0x104: {  	v8 =	vld [tilespmem:s14+$0x0]  }
0x105: {  	v9 =	vld [tilespmem:s14+$0x2300];
	_ =	sdelay $0x3  }
0x106: {  	v10 =	vshra.s32 v8, $0x14  }
0x107: {  	vm1 =	veq.s32 v9, $0x0;
	vm2 =	veq.s32 v10, v7  }
0x108: {  	v63 =	vshrl.u32 v8, $0xA;
	vm1 =	vmand vm1, vm2  }
0x109: {  	v9 =	vand.u32 $0x3FF, v63  }
0x10a: {  	p0 =	sne.s32 s1, $0x8BC0  }
.Ltmp6:
0x10b: {  	_ = 	snop;
	(pc) =	sbr.rel @p0 .LBB2_13-.Ltmp6, $3  }
0x10c: {  	_ =	sdelay $0x1  }
0x10d: {  	[tilespmem:v9+s15+$0x0] =	vst.idx.add.s32.msk vm1, v3  }
0x10e: {  	s1 =	sadd.s32 $0x40, s1;
	[tilespmem:v9+s16+$0x0] =	vst.idx.add.f32.msk vm1, v8  }
0x10f: {  	s1 =	simm.s32 $0x15AF0  }
0x110: {  	v7 =	vld [tilespmem:s1+$0x0];
	_ =	sdelay $0x4  }
0x111: {  	v8 =	vperm.xlane v7, v4;
	_ =	sdelay $0x1  }
0x112: {  	(xrf0) =	vadd.scan.msk.s32 $0xffff, v8;
	_ =	sdelay $0x5  }
0x113: {  	v9, _, _ =	vpop (xrf0)  }
0x114: {  	v10 =	vadd.s32 s13, v9  }
0x115: {  	vm1 =	vlt.s32 v10, v6  }
0x116: {  	v10 =	vsel vm1, $0x80000010, v5  }
0x117: {  	(xrf0) =	vmin.scan.msk.u32 $0xffff, v10;
	_ =	sdelay $0x5  }
0x118: {  	v10, _, _ =	vpop (xrf0)  }
0x119: {  	(v2sf) =	vpush v10, $0xF;
	_ =	sdelay $0xe  }
0x11a: {  	s14 =	spop (v2sf)  }
0x11b: {  	s2 =	sxor.u32 $0x80000000, s14  }
0x11c: {  	v56 =	vmov s2  }
0x11d: {  	vm1 =	veq.s32 v56, v0  }
0x11e: {  	(xrf0) =	vadd.scan.msk.s32 $0xffff, v7;
	v7 =	vnsel vm1, $0x0, v9  }
0x11f: {  	v8 =	vnsel vm1, $0x0, v8;
	(xrf0) =	vadd.scan.msk.s32 $0xffff, v7  }
0x120: {  	(xrf0) =	vadd.scan.msk.s32 $0xffff, v8;
	_ =	sdelay $0x1  }
0x121: {  	s17 =	simm.s32 $0x162F0  }
0x122: {  	v7 =	vld [tilespmem:s17+$0x0]  }
0x123: {  	v8, _, _ =	vpop (xrf0)  }
0x124: {  	(v2sf) =	vpush v8, $0xF;
	v57, _, _ =	vpop (xrf0)  }
0x125: {  	(v2sf) =	vpush v57, $0xF;
	v8, _, _ =	vpop (xrf0)  }
0x126: {  	(v2sf) =	vpush v8, $0xF  }
0x127: {  	v8 =	vperm.xlane v7, v4;
	_ =	sdelay $0x1  }
0x128: {  	(xrf2) =	vadd.scan.msk.f32 $0xffff, v8  }
0x129: {  	s26 =	simm.s32 $0x15AE0  }
0x12a: {  	v58 =	vld [tilespmem:s26+$0x0];
	_ =	sdelay $0x4  }
0x12b: {  	v59 =	vperm.xlane v58, v4;
	_ =	sdelay $0x1  }
0x12c: {  	(xrf0) =	vadd.scan.msk.s32 $0xffff, v59  }
0x12d: {  	s6 =	spop (v2sf);
	v11, _, _ =	vpop (xrf2)  }
0x12e: {  	(xrf2) =	vadd.scan.msk.f32 $0xffff, v7;
	v11 =	vnsel vm1, $0x0, v11;
	s24 =	spop (v2sf)  }
0x12f: {  	v7 =	vnsel vm1, $0x0, v8;
	(xrf2) =	vadd.scan.msk.f32 $0xffff, v11;
	s24 =	sadd.s32 s13, s24;
	s25 =	spop (v2sf)  }
0x130: {  	p1 =	slt.s32 s2, $0x10;
	s1 =	sadd.s32 s13, s6;
	s24 =	ssub.s32 s24, s25  }
0x131: {  	p0 =	por $0x0, $0x0;
	(xrf2) =	vadd.scan.msk.f32 $0xffff, v7;
	s1 =	smov.u32 @p1 s24  }
0x132: {  	v7, _, _ =	vpop (xrf0);
	s1 =	smov.u32 @p0 s13  }
0x133: {  	v8 =	vadd.s32 s1, v7  }
0x134: {  	vm1 =	vlt.s32 v8, v6  }
0x135: {  	v8 =	vsel vm1, $0x80000010, v5  }
0x136: {  	(xrf0) =	vmin.scan.msk.u32 $0xffff, v8;
	_ =	sdelay $0x1  }
0x137: {  	v8, _, _ =	vpop (xrf2)  }
0x138: {  	v11, _, _ =	vpop (xrf2)  }
0x139: {  	(v2sf) =	vpush v11, $0xF  }
0x13a: {  	v60, _, _ =	vpop (xrf2);
	(v2sf) =	vpush v8, $0xF  }
0x13b: {  	(v2sf) =	vpush v60, $0xF;
	v8, _, _ =	vpop (xrf0)  }
0x13c: {  	(v2sf) =	vpush v8, $0xF;
	_ =	sdelay $0x3  }
0x13d: {  	s28 =	simm.s32 $0x162E0  }
0x13e: {  	v8 =	vld [tilespmem:s28+$0x0];
	_ =	sdelay $0x4  }
0x13f: {  	v61 =	vperm.xlane v8, v4;
	_ =	sdelay $0x1  }
0x140: {  	(xrf2) =	vadd.scan.msk.f32 $0xffff, v61;
	s25 =	spop (v2sf)  }
0x141: {  	s2 =	spop (v2sf)  }
0x142: {  	s6 =	spop (v2sf)  }
0x143: {  	s31 =	spop (v2sf)  }
0x144: {  	s13 =	sxor.u32 $0x80000000, s31  }
0x145: {  	v12 =	vmov s13  }
0x146: {  	vm1 =	veq.s32 v12, v0  }
0x147: {  	(xrf0) =	vadd.scan.msk.s32 $0xffff, v58;
	v7 =	vnsel vm1, $0x0, v7  }
0x148: {  	(xrf2) =	vadd.scan.msk.f32 $0xffff, v8  }
0x149: {  	v62 =	vnsel vm1, $0x0, v59;
	(xrf0) =	vadd.scan.msk.s32 $0xffff, v7  }
0x14a: {  	(xrf0) =	vadd.scan.msk.s32 $0xffff, v62;
	v7, _, _ =	vpop (xrf2)  }
0x14b: {  	s17 =	sadd.f32 s25, s30;
	v7 =	vnsel vm1, $0x0, v7  }
0x14c: {  	s29 =	sadd.f32 s2, s30;
	(xrf2) =	vadd.scan.msk.f32 $0xffff, v7  }
0x14d: {  	s14 =	ssub.s32 $0x800003FF, s14;
	s24 =	simm.s32 $0x0;
	s17 =	ssub.f32 s17, s6  }
0x14e: {  	s24 =	smov.u32 @p1 s14;
	p1 =	por p1, p1;
	v8, _, _ =	vpop (xrf0);
	v63 =	vnsel vm1, $0x0, v61  }
0x14f: {  	s24 =	smov.u32 @p0 s0;
	(v2sf) =	vpush v8, $0xF;
	s25 =	simm.s32 $0x800003DF;
	s29 =	smov.u32 @p1 s17;
	(xrf2) =	vadd.scan.msk.f32 $0xffff, v63;
	v7, _, _ =	vpop (xrf0)  }
0x150: {  	s0 =	ssub.s32 $0x800003EF, s31;
	s29 =	smov.u32 @p0 s30;
	s30 =	simm.s32 $0x800003CF;
	(v2sf) =	vpush v7, $0xF;
	v7, _, _ =	vpop (xrf0)  }
.LBB2_15:
0x151: {  	s14 =	smov.u32 s29;
	s17 =	smov.u32 s24;
	s29 =	smov.u32 s1  }
0x152: {  	p2 =	sne.s32 s30, $0x8000000F;
	(v2sf) =	vpush v7, $0xF  }
0x153: {  	v7, _, _ =	vpop (xrf2);
	_ =	sdelay $0x2  }
0x154: {  	s26 =	sadd.s32 $0xFFFFFFF0, s26;
	v8, _, _ =	vpop (xrf2)  }
0x155: {  	v9 =	vld [tilespmem:s26+$0x0];
	(v2sf) =	vpush v8, $0xF;
	_ =	sdelay $0x1  }
0x156: {  	v8, _, _ =	vpop (xrf2);
	(v2sf) =	vpush v7, $0xF  }
0x157: {  	(v2sf) =	vpush v8, $0xF;
	_ =	sdelay $0x1  }
0x158: {  	v7 =	vperm.xlane v9, v4;
	_ =	sdelay $0x1  }
0x159: {  	(xrf0) =	vadd.scan.msk.s32 $0xffff, v7  }
0x15a: {  	s1 =	spop (v2sf)  }
0x15b: {  	s31 =	spop (v2sf)  }
0x15c: {  	s31 =	sadd.s32 s29, s31;
	s2 =	spop (v2sf)  }
0x15d: {  	p3 =	slt.s32 s13, $0x10;
	s1 =	sadd.s32 s29, s1;
	s2 =	ssub.s32 s31, s2  }
0x15e: {  	p0 =	por p0, p1;
	s24 =	smov.u32 @p3 s0;
	s1 =	smov.u32 @p3 s2  }
0x15f: {  	p1 =	por p3, p3;
	s24 =	smov.u32 @p0 s17;
	v8, _, _ =	vpop (xrf0);
	s1 =	smov.u32 @p0 s29  }
0x160: {  	v10 =	vadd.s32 s1, v8  }
0x161: {  	vm1 =	vlt.s32 v10, v6;
	s0 =	spop (v2sf)  }
0x162: {  	v10 =	vsel vm1, $0x80000010, v5;
	s0 =	sadd.f32 s0, s14  }
0x163: {  	(xrf0) =	vmin.scan.msk.u32 $0xffff, v10;
	s2 =	spop (v2sf)  }
0x164: {  	s29 =	sadd.f32 s2, s14;
	s2 =	spop (v2sf)  }
0x165: {  	s0 =	ssub.f32 s0, s2;
	_ =	sdelay $0x1  }
0x166: {  	s29 =	smov.u32 @p1 s0  }
0x167: {  	s29 =	smov.u32 @p0 s14  }
0x168: {  	v10, _, _ =	vpop (xrf0)  }
0x169: {  	s28 =	sadd.s32 $0xFFFFFFF0, s28;
	(v2sf) =	vpush v10, $0xF  }
0x16a: {  	v10 =	vld [tilespmem:s28+$0x0];
	_ =	sdelay $0x4  }
0x16b: {  	v11 =	vperm.xlane v10, v4;
	_ =	sdelay $0x1  }
0x16c: {  	(xrf2) =	vadd.scan.msk.f32 $0xffff, v11;
	_ =	sdelay $0x6  }
0x16d: {  	s0 =	spop (v2sf)  }
0x16e: {  	s13 =	sxor.u32 $0x80000000, s0;
	s0 =	ssub.s32 s25, s0;
	s25 =	smov.u32 s30  }
0x16f: {  	v13 =	vmov s13  }
0x170: {  	vm1 =	veq.s32 v13, v0;
	v12, _, _ =	vpop (xrf2);
	(xrf0) =	vadd.scan.msk.s32 $0xffff, v9  }
0x171: {  	v8 =	vnsel vm1, $0x0, v8;
	v9 =	vnsel vm1, $0x0, v12;
	v11 =	vnsel vm1, $0x0, v11;
	(xrf2) =	vadd.scan.msk.f32 $0xffff, v10  }
0x172: {  	v7 =	vnsel vm1, $0x0, v7;
	(xrf0) =	vadd.scan.msk.s32 $0xffff, v8  }
0x173: {  	(xrf0) =	vadd.scan.msk.s32 $0xffff, v7  }
0x174: {  	(xrf2) =	vadd.scan.msk.f32 $0xffff, v9  }
.Ltmp7:
0x175: {  	(pc) =	sbr.rel @p2 .LBB2_15-.Ltmp7, $4  }
0x176: {  	v7, _, _ =	vpop (xrf0)  }
0x177: {  	(xrf2) =	vadd.scan.msk.f32 $0xffff, v11  }
0x178: {  	v8, _, _ =	vpop (xrf0);
	(v2sf) =	vpush v7, $0xF  }
0x179: {  	s30 =	sadd.s32 $0xFFFFFFF0, s30;
	(v2sf) =	vpush v8, $0xF;
	v7, _, _ =	vpop (xrf0)  }
0x17a: {  	(v2sf) =	vpush v7, $0xF;
	_ =	sdelay $0x3  }
0x17b: {  	s2 =	sadd.s32 $0xFFFFFFF0, s26  }
0x17c: {  	v7 =	vld [tilespmem:s2+$0x0];
	_ =	sdelay $0x4  }
0x17d: {  	v8 =	vperm.xlane v7, v4;
	_ =	sdelay $0x1  }
0x17e: {  	(xrf0) =	vadd.scan.msk.s32 $0xffff, v8  }
0x17f: {  	s31 =	spop (v2sf)  }
0x180: {  	s14 =	spop (v2sf)  }
0x181: {  	s14 =	sadd.s32 s1, s14;
	s17 =	spop (v2sf)  }
0x182: {  	p2 =	slt.s32 s13, $0x10;
	s13 =	sadd.s32 s1, s31;
	s14 =	ssub.s32 s14, s17  }
0x183: {  	p0 =	por p0, p1;
	s13 =	smov.u32 @p2 s14  }
0x184: {  	v9, _, _ =	vpop (xrf0);
	s13 =	smov.u32 @p0 s1  }
0x185: {  	v10 =	vadd.s32 s13, v9  }
0x186: {  	vm1 =	vlt.s32 v10, v6  }
0x187: {  	v10 =	vsel vm1, $0x80000010, v5  }
0x188: {  	(xrf0) =	vmin.scan.msk.u32 $0xffff, v10;
	_ =	sdelay $0x1  }
0x189: {  	v59, _, _ =	vpop (xrf2)  }
0x18a: {  	v11, _, _ =	vpop (xrf2)  }
0x18b: {  	(v2sf) =	vpush v11, $0xF  }
0x18c: {  	v60, _, _ =	vpop (xrf2);
	(v2sf) =	vpush v59, $0xF  }
0x18d: {  	(v2sf) =	vpush v60, $0xF;
	v61, _, _ =	vpop (xrf0)  }
0x18e: {  	(v2sf) =	vpush v61, $0xF  }
0x18f: {  	s6 =	smov.u32 s5;
	s5 =	sadd.s32 $0xFFFFFFF0, s28  }
0x190: {  	v62 =	vld [tilespmem:s5+$0x0];
	_ =	sdelay $0x4  }
0x191: {  	v63 =	vperm.xlane v62, v4;
	_ =	sdelay $0x1  }
0x192: {  	(xrf2) =	vadd.scan.msk.f32 $0xffff, v63;
	_ =	sdelay $0x2  }
0x193: {  	s14 =	spop (v2sf)  }
0x194: {  	s17 =	spop (v2sf)  }
0x195: {  	s26 =	spop (v2sf)  }
0x196: {  	s30 =	spop (v2sf)  }
0x197: {  	s31 =	sxor.u32 $0x80000000, s30  }
0x198: {  	v12 =	vmov s31  }
0x199: {  	(xrf2) =	vadd.scan.msk.f32 $0xffff, v62;
	vm1 =	veq.s32 v12, v0  }
0x19a: {  	(xrf0) =	vadd.scan.msk.s32 $0xffff, v7;
	v7, _, _ =	vpop (xrf2);
	v9 =	vnsel vm1, $0x0, v9  }
0x19b: {  	v7 =	vnsel vm1, $0x0, v7;
	(xrf0) =	vadd.scan.msk.s32 $0xffff, v9  }
0x19c: {  	v8 =	vnsel vm1, $0x0, v8;
	(xrf2) =	vadd.scan.msk.f32 $0xffff, v7  }
0x19d: {  	v7 =	vnsel vm1, $0x0, v63;
	(xrf0) =	vadd.scan.msk.s32 $0xffff, v8  }
0x19e: {  	(xrf2) =	vadd.scan.msk.f32 $0xffff, v7;
	_ =	sdelay $0x3  }
0x19f: {  	v7, _, _ =	vpop (xrf0)  }
0x1a0: {  	v8, _, _ =	vpop (xrf0)  }
0x1a1: {  	(v2sf) =	vpush v7, $0xF;
	v7, _, _ =	vpop (xrf0)  }
0x1a2: {  	(v2sf) =	vpush v8, $0xF;
	v8, _, _ =	vpop (xrf2)  }
0x1a3: {  	(v2sf) =	vpush v7, $0xF;
	v7, _, _ =	vpop (xrf2)  }
0x1a4: {  	(v2sf) =	vpush v7, $0xF  }
0x1a5: {  	v7, _, _ =	vpop (xrf2);
	(v2sf) =	vpush v8, $0xF  }
0x1a6: {  	(v2sf) =	vpush v7, $0xF;
	_ =	sdelay $0x6  }
0x1a7: {  	s1 =	sadd.f32 s14, s29  }
0x1a8: {  	s28 =	smov.u32 s24;
	s2 =	sadd.f32 s17, s29  }
0x1a9: {  	s28 =	smov.u32 @p2 s0;
	s0 =	ssub.f32 s1, s26  }
0x1aa: {  	p1 =	por p2, p2;
	s5 =	spop (v2sf)  }
0x1ab: {  	s28 =	smov.u32 @p0 s24;
	s2 =	smov.u32 @p1 s0;
	s24 =	spop (v2sf)  }
0x1ac: {  	s2 =	smov.u32 @p0 s29;
	s17 =	ssub.s32 s25, s30;
	s25 =	spop (v2sf)  }
0x1ad: {  	p2 =	slt.s32 s31, $0x10;
	s1 =	sadd.s32 s13, s5;
	s29 =	spop (v2sf)  }
0x1ae: {  	s0 =	sadd.s32 s13, s24;
	s24 =	sadd.f32 s29, s2;
	s30 =	spop (v2sf)  }
0x1af: {  	s14 =	ssub.s32 s0, s25;
	s0 =	sadd.f32 s30, s2;
	s31 =	spop (v2sf)  }
0x1b0: {  	s1 =	smov.u32 @p2 s14;
	s14 =	smov.u32 s28;
	s24 =	ssub.f32 s24, s31  }
0x1b1: {  	p0 =	por p0, p1;
	p1 =	por p2, p2;
	s14 =	smov.u32 @p2 s17  }
0x1b2: {  	s1 =	smov.u32 @p0 s13;
	s13 =	simm.s32 $0x40;
	s0 =	smov.u32 @p1 s24  }
0x1b3: {  	s14 =	smov.u32 @p0 s28;
	s24 =	simm.s32 $0x0;
	s0 =	smov.u32 @p0 s2  }
.LBB2_17:
0x1b4: {  	p0 =	sne.s32 s13, $0xFC0;
	[tilespmem:s24+$0x15700] =	vst v1;
	s2 =	smov.u32 s13;
	s13 =	sadd.s32 $0x40, s13  }
.Ltmp8:
0x1b5: {  	[tilespmem:s24+$0x15F00] =	vst v2;
	(pc) =	sbr.rel @p0 .LBB2_17-.Ltmp8, $2  }
0x1b6: {  	_ =	sdelay $0x2  }
0x1b7: {  	s24 =	sshra.s32 s2, $0x2  }
0x1b8: {  	s2 =	sshll.u32 s23, $0xA  }
0x1b9: {  	[tilespmem:s24+$0x15700] =	vst v1;
	s23 =	sor.u32 s2, s14  }
0x1ba: {  	s5 =	smov.u32 s4;
	[tilespmem:s24+$0x15F00] =	vst v2;
	s25 =	simm.s32 $0x0;
	s13 =	simm.s32 $0x0;
	v7 =	vmov s23  }
.LBB2_19:
0x1bb: {  	s2 =	sshra.s32 s13, $0x2  }
0x1bc: {  	v8 =	vld [tilespmem:s2+$0x0]  }
0x1bd: {  	v9 =	vld [tilespmem:s2+$0x2300];
	_ =	sdelay $0x3  }
0x1be: {  	v10 =	vshra.s32 v8, $0xA  }
0x1bf: {  	vm1 =	veq.s32 v9, $0x0;
	vm2 =	veq.s32 v10, v7  }
0x1c0: {  	vm1 =	vmand vm1, vm2  }
0x1c1: {  	v63 =	vand.u32 $0x3FF, v8  }
0x1c2: {  	p0 =	sne.s32 s13, $0x8BC0  }
.Ltmp9:
0x1c3: {  	_ = 	snop;
	(pc) =	sbr.rel @p0 .LBB2_19-.Ltmp9, $3  }
0x1c4: {  	_ =	sdelay $0x1  }
0x1c5: {  	[tilespmem:v63+s15+$0x0] =	vst.idx.add.s32.msk vm1, v3  }
0x1c6: {  	s13 =	sadd.s32 $0x40, s13;
	[tilespmem:v63+s16+$0x0] =	vst.idx.add.f32.msk vm1, v8  }
0x1c7: {  	s2 =	simm.s32 $0x15AF0  }
0x1c8: {  	v7 =	vld [tilespmem:s2+$0x0];
	_ =	sdelay $0x4  }
0x1c9: {  	v8 =	vperm.xlane v7, v4;
	_ =	sdelay $0x1  }
0x1ca: {  	(xrf0) =	vadd.scan.msk.s32 $0xffff, v8;
	_ =	sdelay $0x5  }
0x1cb: {  	v9, _, _ =	vpop (xrf0)  }
0x1cc: {  	v10 =	vadd.s32 s1, v9  }
0x1cd: {  	vm1 =	vlt.s32 v10, v6  }
0x1ce: {  	v10 =	vsel vm1, $0x80000010, v5  }
0x1cf: {  	(xrf0) =	vmin.scan.msk.u32 $0xffff, v10;
	_ =	sdelay $0x5  }
0x1d0: {  	v10, _, _ =	vpop (xrf0)  }
0x1d1: {  	(v2sf) =	vpush v10, $0xF;
	_ =	sdelay $0xe  }
0x1d2: {  	s14 =	spop (v2sf)  }
0x1d3: {  	s29 =	sxor.u32 $0x80000000, s14  }
0x1d4: {  	v56 =	vmov s29  }
0x1d5: {  	vm1 =	veq.s32 v56, v0  }
0x1d6: {  	(xrf0) =	vadd.scan.msk.s32 $0xffff, v7;
	v7 =	vnsel vm1, $0x0, v9  }
0x1d7: {  	v8 =	vnsel vm1, $0x0, v8;
	(xrf0) =	vadd.scan.msk.s32 $0xffff, v7  }
0x1d8: {  	(xrf0) =	vadd.scan.msk.s32 $0xffff, v8;
	_ =	sdelay $0x1  }
0x1d9: {  	s13 =	simm.s32 $0x162F0  }
0x1da: {  	v7 =	vld [tilespmem:s13+$0x0]  }
0x1db: {  	v8, _, _ =	vpop (xrf0)  }
0x1dc: {  	(v2sf) =	vpush v8, $0xF;
	v57, _, _ =	vpop (xrf0)  }
0x1dd: {  	(v2sf) =	vpush v57, $0xF;
	v8, _, _ =	vpop (xrf0)  }
0x1de: {  	(v2sf) =	vpush v8, $0xF  }
0x1df: {  	v8 =	vperm.xlane v7, v4;
	_ =	sdelay $0x1  }
0x1e0: {  	(xrf2) =	vadd.scan.msk.f32 $0xffff, v8  }
0x1e1: {  	s26 =	simm.s32 $0x15AE0  }
0x1e2: {  	v58 =	vld [tilespmem:s26+$0x0];
	_ =	sdelay $0x4  }
0x1e3: {  	v59 =	vperm.xlane v58, v4;
	_ =	sdelay $0x1  }
0x1e4: {  	(xrf0) =	vadd.scan.msk.s32 $0xffff, v59  }
0x1e5: {  	s17 =	spop (v2sf);
	v11, _, _ =	vpop (xrf2)  }
0x1e6: {  	(xrf2) =	vadd.scan.msk.f32 $0xffff, v7;
	v11 =	vnsel vm1, $0x0, v11;
	s13 =	spop (v2sf)  }
0x1e7: {  	v7 =	vnsel vm1, $0x0, v8;
	(xrf2) =	vadd.scan.msk.f32 $0xffff, v11;
	s13 =	sadd.s32 s1, s13;
	s24 =	spop (v2sf)  }
0x1e8: {  	p1 =	slt.s32 s29, $0x10;
	s30 =	sadd.s32 s1, s17;
	s13 =	ssub.s32 s13, s24  }
0x1e9: {  	p0 =	por $0x0, $0x0;
	(xrf2) =	vadd.scan.msk.f32 $0xffff, v7;
	s30 =	smov.u32 @p1 s13  }
0x1ea: {  	v7, _, _ =	vpop (xrf0);
	s30 =	smov.u32 @p0 s1  }
0x1eb: {  	v8 =	vadd.s32 s30, v7  }
0x1ec: {  	vm1 =	vlt.s32 v8, v6  }
0x1ed: {  	v8 =	vsel vm1, $0x80000010, v5  }
0x1ee: {  	(xrf0) =	vmin.scan.msk.u32 $0xffff, v8;
	_ =	sdelay $0x1  }
0x1ef: {  	v8, _, _ =	vpop (xrf2)  }
0x1f0: {  	v11, _, _ =	vpop (xrf2)  }
0x1f1: {  	(v2sf) =	vpush v11, $0xF  }
0x1f2: {  	v60, _, _ =	vpop (xrf2);
	(v2sf) =	vpush v8, $0xF  }
0x1f3: {  	(v2sf) =	vpush v60, $0xF;
	v8, _, _ =	vpop (xrf0)  }
0x1f4: {  	(v2sf) =	vpush v8, $0xF;
	_ =	sdelay $0x3  }
0x1f5: {  	s28 =	simm.s32 $0x162E0  }
0x1f6: {  	v8 =	vld [tilespmem:s28+$0x0];
	_ =	sdelay $0x4  }
0x1f7: {  	v61 =	vperm.xlane v8, v4;
	_ =	sdelay $0x1  }
0x1f8: {  	(xrf2) =	vadd.scan.msk.f32 $0xffff, v61;
	s1 =	spop (v2sf)  }
0x1f9: {  	s2 =	spop (v2sf)  }
0x1fa: {  	s17 =	spop (v2sf)  }
0x1fb: {  	s4 =	spop (v2sf)  }
0x1fc: {  	s13 =	sxor.u32 $0x80000000, s4  }
0x1fd: {  	v12 =	vmov s13  }
0x1fe: {  	(xrf0) =	vadd.scan.msk.s32 $0xffff, v58;
	vm1 =	veq.s32 v12, v0  }
0x1ff: {  	(xrf2) =	vadd.scan.msk.f32 $0xffff, v8;
	v7 =	vnsel vm1, $0x0, v7  }
0x200: {  	v62 =	vnsel vm1, $0x0, v59;
	(xrf0) =	vadd.scan.msk.s32 $0xffff, v7  }
0x201: {  	s1 =	sadd.f32 s1, s0;
	(xrf0) =	vadd.scan.msk.s32 $0xffff, v62  }
0x202: {  	v7, _, _ =	vpop (xrf2)  }
0x203: {  	p2 =	sgt.s32 s29, $0xF;
	s17 =	ssub.f32 s1, s17;
	v7 =	vnsel vm1, $0x0, v7  }
0x204: {  	s31 =	ssub.s32 $0x800003FF, s14;
	p2 =	por p0, p2;
	s1 =	sadd.f32 s2, s0;
	(xrf2) =	vadd.scan.msk.f32 $0xffff, v7  }
0x205: {  	s31 =	smov.u32 @p2 s25;
	s24 =	smov.u32 @p2 s25;
	p1 =	por p1, p1;
	v8, _, _ =	vpop (xrf0)  }
0x206: {  	s25 =	simm.s32 $0x800003DF;
	(v2sf) =	vpush v8, $0xF;
	s29 =	ssub.s32 $0x800003EF, s4;
	s1 =	smov.u32 @p1 s17;
	v63 =	vnsel vm1, $0x0, v61;
	v7, _, _ =	vpop (xrf0)  }
0x207: {  	p2 =	sgt.s32 s13, $0xF;
	s1 =	smov.u32 @p0 s0;
	s0 =	simm.s32 $0x800003CF;
	(xrf2) =	vadd.scan.msk.f32 $0xffff, v63;
	(v2sf) =	vpush v7, $0xF;
	v7, _, _ =	vpop (xrf0)  }
.LBB2_21:
0x208: {  	s14 =	smov.u32 s1  }
0x209: {  	s1 =	smov.u32 s24;
	s2 =	smov.u32 s31;
	s4 =	smov.u32 s30  }
0x20a: {  	p3 =	sne.s32 s0, $0x8000000F;
	(v2sf) =	vpush v7, $0xF  }
0x20b: {  	v7, _, _ =	vpop (xrf2);
	_ =	sdelay $0x2  }
0x20c: {  	s26 =	sadd.s32 $0xFFFFFFF0, s26;
	v8, _, _ =	vpop (xrf2)  }
0x20d: {  	v9 =	vld [tilespmem:s26+$0x0];
	(v2sf) =	vpush v8, $0xF;
	_ =	sdelay $0x1  }
0x20e: {  	v8, _, _ =	vpop (xrf2);
	(v2sf) =	vpush v7, $0xF  }
0x20f: {  	(v2sf) =	vpush v8, $0xF;
	_ =	sdelay $0x1  }
0x210: {  	v7 =	vperm.xlane v9, v4;
	_ =	sdelay $0x1  }
0x211: {  	(xrf0) =	vadd.scan.msk.s32 $0xffff, v7  }
0x212: {  	s17 =	spop (v2sf)  }
0x213: {  	s24 =	spop (v2sf)  }
0x214: {  	s30 =	sadd.s32 s30, s24;
	s24 =	spop (v2sf)  }
0x215: {  	p4 =	slt.s32 s13, $0x10;
	s13 =	ssub.s32 s30, s24;
	s30 =	sadd.s32 s4, s17  }
0x216: {  	p0 =	por p0, p1;
	p1 =	por p4, p4;
	s30 =	smov.u32 @p4 s13  }
0x217: {  	s31 =	smov.u32 s29;
	p2 =	por p0, p2;
	v8, _, _ =	vpop (xrf0);
	s30 =	smov.u32 @p0 s4  }
0x218: {  	s31 =	smov.u32 @p2 s2;
	s24 =	smov.u32 @p2 s1;
	v10 =	vadd.s32 s30, v8  }
0x219: {  	vm1 =	vlt.s32 v10, v6;
	s1 =	spop (v2sf)  }
0x21a: {  	v10 =	vsel vm1, $0x80000010, v5;
	s2 =	sadd.f32 s1, s14  }
0x21b: {  	(xrf0) =	vmin.scan.msk.u32 $0xffff, v10;
	s1 =	spop (v2sf)  }
0x21c: {  	s1 =	sadd.f32 s1, s14;
	s4 =	spop (v2sf)  }
0x21d: {  	s2 =	ssub.f32 s2, s4;
	_ =	sdelay $0x1  }
0x21e: {  	s1 =	smov.u32 @p1 s2  }
0x21f: {  	s1 =	smov.u32 @p0 s14  }
0x220: {  	v10, _, _ =	vpop (xrf0)  }
0x221: {  	s28 =	sadd.s32 $0xFFFFFFF0, s28;
	(v2sf) =	vpush v10, $0xF  }
0x222: {  	v10 =	vld [tilespmem:s28+$0x0];
	_ =	sdelay $0x4  }
0x223: {  	v11 =	vperm.xlane v10, v4;
	_ =	sdelay $0x1  }
0x224: {  	(xrf2) =	vadd.scan.msk.f32 $0xffff, v11;
	_ =	sdelay $0x6  }
0x225: {  	s2 =	spop (v2sf)  }
0x226: {  	s13 =	sxor.u32 $0x80000000, s2;
	s29 =	ssub.s32 s25, s2;
	s25 =	smov.u32 s0  }
0x227: {  	p2 =	sgt.s32 s13, $0xF;
	v13 =	vmov s13  }
0x228: {  	vm1 =	veq.s32 v13, v0;
	v12, _, _ =	vpop (xrf2);
	(xrf0) =	vadd.scan.msk.s32 $0xffff, v9  }
0x229: {  	v8 =	vnsel vm1, $0x0, v8;
	v9 =	vnsel vm1, $0x0, v12;
	v11 =	vnsel vm1, $0x0, v11;
	(xrf2) =	vadd.scan.msk.f32 $0xffff, v10  }
0x22a: {  	v7 =	vnsel vm1, $0x0, v7;
	(xrf0) =	vadd.scan.msk.s32 $0xffff, v8  }
0x22b: {  	(xrf0) =	vadd.scan.msk.s32 $0xffff, v7  }
0x22c: {  	(xrf2) =	vadd.scan.msk.f32 $0xffff, v9  }
.Ltmp10:
0x22d: {  	(pc) =	sbr.rel @p3 .LBB2_21-.Ltmp10, $4  }
0x22e: {  	v7, _, _ =	vpop (xrf0)  }
0x22f: {  	(xrf2) =	vadd.scan.msk.f32 $0xffff, v11  }
0x230: {  	v8, _, _ =	vpop (xrf0);
	(v2sf) =	vpush v7, $0xF  }
0x231: {  	s0 =	sadd.s32 $0xFFFFFFF0, s0;
	(v2sf) =	vpush v8, $0xF;
	v7, _, _ =	vpop (xrf0)  }
0x232: {  	(v2sf) =	vpush v7, $0xF;
	_ =	sdelay $0x3  }
0x233: {  	s0 =	sadd.s32 $0xFFFFFFF0, s26  }
0x234: {  	v7 =	vld [tilespmem:s0+$0x0];
	_ =	sdelay $0x4  }
0x235: {  	v8 =	vperm.xlane v7, v4;
	_ =	sdelay $0x1  }
0x236: {  	(xrf0) =	vadd.scan.msk.s32 $0xffff, v8  }
0x237: {  	s2 =	spop (v2sf)  }
0x238: {  	s26 =	spop (v2sf)  }
0x239: {  	s4 =	sadd.s32 s30, s26;
	s0 =	spop (v2sf)  }
0x23a: {  	p3 =	slt.s32 s13, $0x10;
	s13 =	sadd.s32 s30, s2;
	s4 =	ssub.s32 s4, s0  }
0x23b: {  	p0 =	por p0, p1;
	s13 =	smov.u32 @p3 s4  }
0x23c: {  	v9, _, _ =	vpop (xrf0);
	s13 =	smov.u32 @p0 s30  }
0x23d: {  	v10 =	vadd.s32 s13, v9  }
0x23e: {  	vm1 =	vlt.s32 v10, v6  }
0x23f: {  	v6 =	vsel vm1, $0x80000010, v5  }
0x240: {  	(xrf0) =	vmin.scan.msk.u32 $0xffff, v6;
	_ =	sdelay $0x1  }
0x241: {  	v6, _, _ =	vpop (xrf2)  }
0x242: {  	v61, _, _ =	vpop (xrf2)  }
0x243: {  	(v2sf) =	vpush v61, $0xF  }
0x244: {  	v62, _, _ =	vpop (xrf2);
	(v2sf) =	vpush v6, $0xF  }
0x245: {  	(v2sf) =	vpush v62, $0xF;
	v6, _, _ =	vpop (xrf0)  }
0x246: {  	(v2sf) =	vpush v6, $0xF;
	_ =	sdelay $0x3  }
0x247: {  	s30 =	sadd.s32 $0xFFFFFFF0, s28  }
0x248: {  	v6 =	vld [tilespmem:s30+$0x0];
	_ =	sdelay $0x4  }
0x249: {  	v63 =	vperm.xlane v6, v4;
	_ =	sdelay $0x1  }
0x24a: {  	(xrf2) =	vadd.scan.msk.f32 $0xffff, v63;
	s4 =	spop (v2sf)  }
0x24b: {  	s28 =	spop (v2sf)  }
0x24c: {  	s14 =	spop (v2sf)  }
0x24d: {  	s17 =	spop (v2sf)  }
0x24e: {  	s26 =	sxor.u32 $0x80000000, s17  }
0x24f: {  	v11 =	vmov s26  }
0x250: {  	vm1 =	veq.s32 v11, v0  }
0x251: {  	(xrf0) =	vadd.scan.msk.s32 $0xffff, v7;
	v7 =	vnsel vm1, $0x0, v9;
	_ =	sdelay $0x1  }
0x252: {  	v8 =	vnsel vm1, $0x0, v8;
	(xrf0) =	vadd.scan.msk.s32 $0xffff, v7  }
0x253: {  	(xrf0) =	vadd.scan.msk.s32 $0xffff, v8;
	v7, _, _ =	vpop (xrf2)  }
0x254: {  	(xrf2) =	vadd.scan.msk.f32 $0xffff, v6;
	v7 =	vnsel vm1, $0x0, v7  }
0x255: {  	v6 =	vnsel vm1, $0x0, v63;
	(xrf2) =	vadd.scan.msk.f32 $0xffff, v7;
	_ =	sdelay $0x1  }
0x256: {  	(xrf2) =	vadd.scan.msk.f32 $0xffff, v6;
	v7, _, _ =	vpop (xrf0)  }
0x257: {  	v6, _, _ =	vpop (xrf0);
	(v2sf) =	vpush v7, $0xF  }
0x258: {  	(v2sf) =	vpush v6, $0xF;
	v6, _, _ =	vpop (xrf0)  }
0x259: {  	(v2sf) =	vpush v6, $0xF;
	_ =	sdelay $0x3  }
0x25a: {  	v6, _, _ =	vpop (xrf2)  }
0x25b: {  	v7, _, _ =	vpop (xrf2)  }
0x25c: {  	(v2sf) =	vpush v7, $0xF  }
0x25d: {  	(v2sf) =	vpush v6, $0xF;
	v6, _, _ =	vpop (xrf2)  }
0x25e: {  	(v2sf) =	vpush v6, $0xF;
	_ =	sdelay $0x3  }
0x25f: {  	p1 =	por p0, p2;
	p2 =	por p3, p3  }
0x260: {  	s0 =	smov.u32 @p1 s24;
	s2 =	sadd.f32 s4, s1;
	s24 =	spop (v2sf)  }
0x261: {  	s29 =	smov.u32 @p1 s31;
	s4 =	sadd.f32 s28, s1;
	s30 =	spop (v2sf)  }
0x262: {  	s2 =	ssub.f32 s2, s14;
	s31 =	sadd.s32 s13, s30;
	s28 =	spop (v2sf)  }
0x263: {  	p1 =	slt.s32 s26, $0x10;
	s24 =	sadd.s32 s13, s24;
	s14 =	ssub.s32 s31, s28  }
0x264: {  	s4 =	smov.u32 @p2 s2;
	p2 =	por p0, p2;
	s24 =	smov.u32 @p1 s14  }
0x265: {  	p6 =	sgt.s32 s26, $0xF;
	s4 =	smov.u32 @p0 s1;
	s24 =	smov.u32 @p2 s13  }
0x266: {  	s1 =	ssub.s32 s25, s17;
	p0 =	por p2, p6;
	s2 =	ssub.s32 s22, s24  }
0x267: {  	s1 =	smov.u32 @p0 s29;
	s28 =	smov.u32 @p0 s0;
	p0 =	sgt.s32 s2, $0x0  }
0x268: {  	s25 =	spop (v2sf);
	s2 =	simm.s32 @!p0 $0x0  }
0x269: {  	s0 =	sadd.f32 s25, s4;
	s26 =	spop (v2sf);
	p0 =	slt.s32 s28, s2  }
0x26a: {  	s13 =	sadd.f32 s26, s4;
	s2 =	smov.u32 @p0 s28;
	s29 =	spop (v2sf)  }
0x26b: {  	s30 =	sshll.u32 s23, $0xA;
	s31 =	scvt.s32.f32 s2;
	s0 =	ssub.f32 s0, s29  }
0x26c: {  	s17 =	simm.s32 $0x0;
	s1 =	sor.u32 s30, s1;
	p0 =	por p1, p1  }
0x26d: {  	s23 =	simm.s32 $0xCE80;
	s1 =	smul.f32 s31, s1;
	s13 =	smov.u32 @p0 s0  }
0x26e: {  	s24 =	simm.s32 $0x16700;
	p0 =	sgt.s32 s2, $0x0;
	s13 =	smov.u32 @p2 s4  }
0x26f: {  	s4 =	smov.u32 s5;
	s5 =	smov.u32 s6;
	s1 =	simm.s32 @!p0 $0x0  }
0x270: {  	s6 =	simm.s32 $0x4600;
	s0 =	sadd.f32 s1, s13;
	s13 =	simm.s32 $0x0  }
.LBB2_23:
0x271: {  	s1 =	simm.s32 $0x4600  }
0x272: {  	s2 =	simm.s32 $0xCE80;
	v6 =	vld [tilespmem:s1+$0x0]  }
0x273: {  	v7 =	vshrl.u32 v0, $0x2;
	v8 =	vld [tilespmem:s2+$0x0]  }
0x274: {  	v9 =	vor.u32 s13, v7;
	_ =	sdelay $0x1  }
0x275: {  	s30 =	simm.s32 $0x4610  }
0x276: {  	v11 =	vld [tilespmem:s30+$0x0];
	s1 =	simm.s32 $0xCE90  }
0x277: {  	s31 =	simm.s32 $0x4;
	v10 =	vld [tilespmem:s1+$0x0];
	v12 =	vsub.f32 v6, v8  }
0x278: {  	v8 =	vld.idx.msk [tilespmem:v9+s12+$0x0], $0xffff;
	v9 =	vor.u32 s31, v7  }
0x279: {  	v14 =	vmul.f32 $5.000000000e-01, v12  }
0x27a: {  	v13 =	vand.u32 $0x7FFFFFFF, v12  }
0x27b: {  	s14 =	simm.s32 $0x4620;
	s13 =	simm.s32 $0x8;
	v6 =	vimm.f32 $0.0e+00;
	v12 =	vmul.f32 v14, v12;
	v14 =	vadd.f32 $-5.000000000e-01, v13  }
.LBB2_24:
0x27c: {  	v15 =	vld [tilespmem:s14+$0x0];
	vm1 =	vlt.f32 v13, $1.000000000e+00;
	s2 =	smov.u32 s13;
	p0 =	sne.s32 s13, $0x2218  }
.Ltmp11:
0x27d: {  	s13 =	sadd.s32 $0x4, s13;
	s1 =	sadd.s32 $0x10, s1;
	v11 =	vsub.f32 v11, v10;
	v12 =	vsel vm1, v12, v14;
	vm1 =	vgt.s32 v8, $0x0;
	v8 =	vld.idx.msk [tilespmem:v9+s12+$0x0], $0xffff;
	(pc) =	sbr.rel @p0 .LBB2_24-.Ltmp11, $4  }
0x27e: {  	v9 =	vor.u32 s2, v7;
	v10 =	vld [tilespmem:s1+$0x0];
	v12 =	vnsel vm1, $0x0, v12  }
0x27f: {  	v14 =	vmul.f32 $5.000000000e-01, v11;
	v6 =	vadd.f32 v12, v6  }
0x280: {  	v13 =	vand.u32 $0x7FFFFFFF, v11  }
0x281: {  	s14 =	sadd.s32 $0x10, s14;
	v12 =	vmul.f32 v14, v11;
	v14 =	vadd.f32 $-5.000000000e-01, v13;
	v11 =	vmov v15  }
0x282: {  	_ =	sdelay $0x2  }
0x283: {  	v7 =	vsub.f32 v11, v10  }
0x284: {  	v9 =	vld.idx.msk [tilespmem:v9+s12+$0x0], $0xffff  }
0x285: {  	vm1 =	vlt.f32 v13, $1.000000000e+00;
	v10 =	vmul.f32 $5.000000000e-01, v7  }
0x286: {  	v60 =	vsel vm1, v12, v14;
	v61 =	vand.u32 $0x7FFFFFFF, v7  }
0x287: {  	vm1 =	vgt.s32 v8, $0x0;
	v62 =	vadd.f32 $-5.000000000e-01, v61;
	v7 =	vmul.f32 v10, v7  }
0x288: {  	v63 =	vnsel vm1, $0x0, v60;
	vm1 =	vlt.f32 v61, $1.000000000e+00  }
0x289: {  	v6 =	vadd.f32 v63, v6;
	v7 =	vsel vm1, v7, v62;
	vm1 =	vgt.s32 v9, $0x0  }
0x28a: {  	v7 =	vnsel vm1, $0x0, v7  }
0x28b: {  	v6 =	vadd.f32 v7, v6;
	_ =	sdelay $0x1  }
0x28c: {  	(xrf2) =	vadd.scan.msk.f32 $0xffff, v6;
	_ =	sdelay $0x9  }
0x28d: {  	v6, _, _ =	vpop (xrf2)  }
0x28e: {  	v6 =	vbroadcast v6, $0xF  }
0x28f: {  	s0 =	sadd.f32 s0, s20  }
0x290: {  	s1 =	scvt.s32.f32 s19;
	vm1 =	veq.s32 v0, $0x0;
	v6 =	vnsel vm0, $0x0, v6  }
0x291: {  	s18 =	sadd.s32 $0x1, s18;
	v6 =	vsel vm1, s0, v6;
	vm1 =	veq.s32 v0, $0x1  }
0x292: {  	p0 =	sne.s32 s18, s3;
	v6 =	vsel vm1, s1, v6  }
.Ltmp12:
0x293: {  	[tilespmem:$0x16700] =	vst v6;
	(pc) =	sbr.rel @p0 .LBB2_1-.Ltmp12, $4  }
0x294: {  	[hbm4b:s8+s17] =	stream.linear.scatter [tilespmem:s24], [sflag:$0x1], $0x80, $0x38;
	[tilespmem:$0x16780] =	vst v63  }
0x295: {  	_ =	swait.ge [sflag:s11], $0x80  }
0x296: {  	[sflag:s11] =	ssyncset.done $0x0  }
0x297: {  	[sflag:s11] =	ssyncadd.s32 $0xFFFFFF80  }
0x298: {  	_ =	sfence.sel $0x180000  }
0x299: {  	[bflag:$0x0] =	sbarrier.arrive $0xFFFF  }
0x29a: {  	_ =	strace $0x90000047  }
0x29b: {  	s0 =	stileid.u32;
	[bflag:$0x2] =	sbarrier.arrive $0xFFFF  }
0x29c: {  	p0 =	sne.s32 s0, $0x0;
	s0 =	rddreg [dreg:$0x1]  }
0x29d: {  	s0 =	sadd.s32 @!p0 $0x100000, s0  }
0x29e: {  	[sflag:s0] =	ssyncadd.tile.s32 @!p0 $0x1;
	_ =	shalt  }
.Lfunc_end2:
_tile_overlayer_lowered:
.L_overlay_start_2:
0x29f: {  	(tag) =	ssettag $0x2  }
0x2a0: {  	s0 =	rddreg [dreg:$0x0];
	s2 =	stileid.u32  }
0x2a1: {  	s1 =	rddreg [dreg:$0x1];
	p0 =	sne.s32 s2, $0x0  }
0x2a2: {  	s3 =	rddreg [dreg:$0x2];
	[bflag:$0x3] =	sbarrier.arrive $0xFFFF;
	s2 =	simm.s32 @!p0 $0x1C01  }
0x2a3: {  	[timem:s3], [sflag:s2] =	dma.local @!p0 [hbm:s0], s1  }
0x2a4: {  	s0 =	simm.s32 @!p0 $0x1  }
0x2a5: {  	_ =	swait.ge @!p0 [sflag:s0], s1  }
0x2a6: {  	s1 =	ssub.s32 @!p0 $0x0, s1;
	[sflag:s0] =	ssyncset.done @!p0 $0x0  }
0x2a7: {  	[sflag:s0] =	ssyncadd.s32 @!p0 s1  }
0x2a8: {  	[bflag:$0x3] =	sbarrier.arrive $0xFFFF  }
0x2a9: {  	_ =	shalt  }

</sc_bundles>
